<compile_context>
chip_gen: v7x
topology: tpu7x:2x2x1
jax: 0.10.2.dev20260603
libtpu: 0.0.44.dev20260713+nightly
codegen_flags: <defaults>
</compile_context>

<pallas_src>
import functools

import jax
import jax.numpy as jnp
from jax import lax
from jax.experimental import pallas as pl
from jax.experimental.pallas import tpu as pltpu
from jax.experimental.pallas import tpu_sc as plsc

_BETA = 0.2
_L = 16
_NC = 2
_NS = 16
_NW = _NC * _NS
_K = 128
_BR = 5000


def _copy_body(x_ref, o_ref):
    o_ref[...] = x_ref[...]


def _tc_copy(mem):
    M, D = mem.shape
    rows = M * D // 128
    x = mem.reshape(rows, 128)
    y = pl.pallas_call(
        _copy_body,
        grid=(rows // _BR,),
        in_specs=[pl.BlockSpec((_BR, 128), lambda i: (i, 0))],
        out_specs=pl.BlockSpec((_BR, 128), lambda i: (i, 0)),
        out_shape=jax.ShapeDtypeStruct((rows, 128), jnp.float32),
    )(x)
    return y.reshape(M, D)


def _sc_update(M, D, N, idx, val, y,
               idx_v, winner_v, wj_v, stage_v, rows_a, rows_b, sem_a, sem_b):
    R = M // _NW
    wid = lax.axis_index("s") * _NC + lax.axis_index("c")
    base = wid * R
    lane = lax.iota(jnp.int32, _L)

    pltpu.sync_copy(idx, idx_v)

    nch = N // _L

    def p1(c, carry):
        jv = idx_v[pl.ds(c * _L, _L)]
        pos = lane + c * _L
        loc = jv - base
        m = (loc >= 0) & (loc < R)
        locc = jnp.where(m, loc, 0)
        _, lastm = plsc.scan_count(jv, mask=m)
        plsc.store_scatter(winner_v, [locc], pos, mask=m & lastm)
        return carry

    lax.fori_loop(0, nch, p1, jnp.int32(0))

    def p2(c, cnt):
        jv = idx_v[pl.ds(c * _L, _L)]
        pos = lane + c * _L
        loc = jv - base
        m = (loc >= 0) & (loc < R)
        locc = jnp.where(m, loc, 0)
        rb = plsc.load_gather(winner_v, [locc], mask=m)
        win = m & (rb == pos)
        plsc.store_compressed(wj_v.at[pl.ds(cnt, _L)], pos, mask=win)
        return cnt + jnp.sum(win.astype(jnp.int32))

    cnt = lax.fori_loop(0, nch, p2, jnp.int32(0))

    lastp = jnp.full((_L,), 0, jnp.int32) + jnp.maximum(cnt - 1, 0)
    lastj = plsc.load_gather(wj_v, [lastp])

    def pad(q, carry):
        wj_v[pl.ds(cnt + q * _L, _L)] = lastj
        return carry

    lax.fori_loop(0, _K // _L, pad, jnp.int32(0))

    nt = (cnt + _K - 1) // _K

    def p3(t, carry):
        off = t * _K

        def st(q, c2):
            wjq = wj_v[pl.ds(off + q * _L, _L)]
            stage_v[0, pl.ds(q * _L, _L)] = plsc.load_gather(idx_v, [wjq])
            stage_v[1, pl.ds(q * _L, _L)] = wjq
            return c2

        lax.fori_loop(0, _K // _L, st, jnp.int32(0), unroll=True)

        ga = pltpu.async_copy(y.at[stage_v.at[0]], rows_a, sem_a)
        gb = pltpu.async_copy(val.at[stage_v.at[1]], rows_b, sem_b)
        ga.wait()
        gb.wait()

        def blend(r, c2):
            for q in range(D // _L):
                s = pl.ds(q * _L, _L)
                rows_a[r, s] = (rows_a[r, s] * _BETA
                                + rows_b[r, s] * (1.0 - _BETA))
            return c2

        lax.fori_loop(0, _K, blend, jnp.int32(0))
        pltpu.sync_copy(rows_a, y.at[stage_v.at[0]])
        return carry

    lax.fori_loop(0, nt, p3, jnp.int32(0))


def kernel(mem, idx, val):
    M, D = mem.shape
    N = idx.shape[0]
    assert M % _NW == 0 and (M * D // 128) % _BR == 0
    assert N % _L == 0 and D % _L == 0

    mesh = plsc.VectorSubcoreMesh(core_axis_name="c", subcore_axis_name="s")
    cap = N + _K + _L
    run = pl.kernel(
        functools.partial(_sc_update, M, D, N),
        out_type=(),
        mesh=mesh,
        compiler_params=pltpu.CompilerParams(use_tc_tiling_on_sc=False,
                                             needs_layout_passes=False),
        scratch_types=[
            pltpu.VMEM((N,), jnp.int32),
            pltpu.VMEM((M // _NW,), jnp.int32),
            pltpu.VMEM((cap,), jnp.int32),
            pltpu.VMEM((2, _K), jnp.int32),
            pltpu.VMEM((_K, D), jnp.float32),
            pltpu.VMEM((_K, D), jnp.float32),
            pltpu.SemaphoreType.DMA,
            pltpu.SemaphoreType.DMA,
        ],
    )
    y = _tc_copy(mem)
    y_ref = jax.new_ref(y)
    run(idx.astype(jnp.int32), val, y_ref)
    return y_ref[...]

# --- scband reference (transcript-rebuilt; emitter-appended) ---
"""Pipeline reference for scband-gat-47253230190594 (READ-ONLY COPY).

The authoritative reference and input builder live on the scoring server;
editing this copy changes nothing except your own understanding.
"""

import jax, jax.numpy as jnp
import numpy as np

BETA = 0.2

def setup_inputs(seed: int = 0) -> dict:
    key = jax.random.key(seed)
    k1, k2, k3 = jax.random.split(key, 3)
    # g.ndata['z'] : the node-state memory table [M, d]
    mem = jax.random.normal(k1, (1000000, 64), dtype=jnp.float32)
    # nodes_id : indices of nodes whose records are updated
    idx = jax.random.randint(k2, (16384,), 0, 1000000)
    # records : new values blended into memory
    val = jax.random.normal(k3, (16384, 64), dtype=jnp.float32)
    return {"mem": mem, "idx": idx, "val": val}

def reference(mem, idx, val):
    # GAT.record: g.ndata['z'][nodes_id, :] = BETA * g.ndata['z'][nodes_id, :] + (1 - BETA) * records
    records = BETA * mem[idx, :] + (1.0 - BETA) * val
    mem = mem.at[idx, :].set(records)
    # GAT.forward -> GATLayer.forward_from_record: return g.ndata['z']
    return mem

if __name__ == "__main__":
    import jax
    _d = setup_inputs()
    print(jax.jit(kernel)(*tuple(_d.values())))

</pallas_src>

<mosaic_0001>
#map = affine_map<(d0, d1) -> (0)>
#map1 = affine_map<(d0, d1) -> (0, 0)>
module attributes {stable_mosaic.version = 14 : i64} {
  func.func @new_body(%arg0: i32, %arg1: i32, %arg2: memref<16384xi32, #tpu.memory_space<hbm>>, %arg3: memref<16384x64xf32, #tpu.memory_space<hbm>>, %arg4: memref<1000000x64xf32, #tpu.memory_space<hbm>>, %arg5: memref<1000000x64xf32, #tpu.memory_space<hbm>>, %arg6: memref<16384xi32, #tpu.memory_space<vmem>>, %arg7: memref<31250xi32, #tpu.memory_space<vmem>>, %arg8: memref<16528xi32, #tpu.memory_space<vmem>>, %arg9: memref<2x128xi32, #tpu.memory_space<vmem>>, %arg10: memref<128x64xf32, #tpu.memory_space<vmem>>, %arg11: memref<128x64xf32, #tpu.memory_space<vmem>>, %arg12: memref<!tpu.dma_semaphore, #tpu.memory_space<semaphore_mem>>, %arg13: memref<!tpu.dma_semaphore, #tpu.memory_space<semaphore_mem>>) attributes {dimension_semantics = [#tpu.dimension_semantics<core_parallel>, #tpu.dimension_semantics<subcore_parallel>], iteration_bounds = array<i64: 2, 16>, scalar_prefetch = 0 : i64, scratch_operands = 8 : i64, tpu.core_type = #tpu.core_type<sc_vector_subcore>, window_params = [{transform_indices = #map}, {transform_indices = #map1}, {transform_indices = #map1}, {transform_indices = #map1}]} {
    %mul3A = arith.constant 2 : i32
    %mul3A_0 = arith.muli %arg1, %mul3A : i32
    %add3A = arith.addi %mul3A_0, %arg0 : i32
    %mul3A_1 = arith.constant 31250 : i32
    %mul3A_2 = arith.muli %add3A, %mul3A_1 : i32
    %iota3A = tpu.iota {dimensions = array<i32: 0>} : vector<16xi32>
    "tpu.region"() ({
      %run_scoped3A = tpu.sem_alloc : memref<!tpu.dma_semaphore, #tpu.memory_space<semaphore_mem>>
      tpu.enqueue_dma source(%arg2 : memref<16384xi32, #tpu.memory_space<hbm>>) target(%arg6 : memref<16384xi32, #tpu.memory_space<vmem>>) target_semaphore(%run_scoped3A : memref<!tpu.dma_semaphore, #tpu.memory_space<semaphore_mem>>)
      tpu.wait_dma2 semaphore(%run_scoped3A : memref<!tpu.dma_semaphore, #tpu.memory_space<semaphore_mem>>) src(%arg2 : memref<16384xi32, #tpu.memory_space<hbm>>) dst(%arg6 : memref<16384xi32, #tpu.memory_space<vmem>>)
      tpu.yield
    }) : () -> ()
    %scan3A = arith.constant 0 : i32
    %scan3A_3 = arith.constant 0 : i32
    %scan3A_4 = arith.constant 1024 : i32
    %scan3A_5 = arith.addi %scan3A_3, %scan3A_4 : i32
    %scan3A_6 = arith.constant 1 : i32
    scf.for %scan3A_56 = %scan3A_3 to %scan3A_5 step %scan3A_6  : i32 {
      %mul3A_57 = arith.constant 16 : i32
      %mul3A_58 = arith.muli %scan3A_56, %mul3A_57 : i32
      %get3A = arith.index_cast %mul3A_58 : i32 to index
      %get3A_59 = tpu.vector_load %arg6[%get3A] {strides = array<i32>} : memref<16384xi32, #tpu.memory_space<vmem>>, vector<16xi32>,
      %mul3A_60 = arith.constant 16 : i32
      %mul3A_61 = arith.muli %scan3A_56, %mul3A_60 : i32
      %add3A_62 = vector.broadcast %mul3A_61 : i32 to vector<16xi32>
      %add3A_63 = arith.addi %iota3A, %add3A_62 : vector<16xi32>
      %sub3A_64 = vector.broadcast %mul3A_2 : i32 to vector<16xi32>
      %sub3A_65 = arith.subi %get3A_59, %sub3A_64 : vector<16xi32>
      %ge3A = arith.constant 0 : i32
      %ge3A_66 = vector.broadcast %ge3A : i32 to vector<16xi32>
      %ge3A_67 = arith.cmpi sge, %sub3A_65, %ge3A_66 : vector<16xi32>
      %lt3A = arith.constant 31250 : i32
      %lt3A_68 = vector.broadcast %lt3A : i32 to vector<16xi32>
      %lt3A_69 = arith.cmpi slt, %sub3A_65, %lt3A_68 : vector<16xi32>
      %and3A_70 = arith.andi %ge3A_67, %lt3A_69 : vector<16xi1>
      %jit3A_71 = arith.constant 0 : i32
      %broadcast_in_dim3A_72 = vector.broadcast %jit3A_71 : i32 to vector<16xi32>
      %select_n3A_73 = arith.select %and3A_70, %sub3A_65, %broadcast_in_dim3A_72 : vector<16xi1>, vector<16xi32>
      %unique3A, %unique3A_74 = tpu.scan_count mask(%and3A_70 : vector<16xi1>) value(%get3A_59 : vector<16xi32>) : vector<16xi1>, vector<16xi32>
      %and3A_75 = arith.andi %and3A_70, %unique3A : vector<16xi1>
      tpu.vector_store_idx %arg7[%select_n3A_73], %add3A_63 masked %and3A_75 : memref<31250xi32, #tpu.memory_space<vmem>>[vector<16xi32>], vector<16xi32>, vector<16xi1>
    }
    %scan3A_7 = arith.constant 1024 : i32
    %scan3A_8 = arith.constant 0 : i32
    %scan3A_9 = arith.constant 0 : i32
    %scan3A_10 = arith.constant 1024 : i32
    %scan3A_11 = arith.addi %scan3A_9, %scan3A_10 : i32
    %scan3A_12 = arith.constant 1 : i32
    %scan3A_13 = scf.for %scan3A_56 = %scan3A_9 to %scan3A_11 step %scan3A_12 iter_args(%scan3A_57 = %scan3A_8) -> (i32)  : i32 {
      %mul3A_58 = arith.constant 16 : i32
      %mul3A_59 = arith.muli %scan3A_56, %mul3A_58 : i32
      %get3A = arith.index_cast %mul3A_59 : i32 to index
      %get3A_60 = tpu.vector_load %arg6[%get3A] {strides = array<i32>} : memref<16384xi32, #tpu.memory_space<vmem>>, vector<16xi32>,
      %mul3A_61 = arith.constant 16 : i32
      %mul3A_62 = arith.muli %scan3A_56, %mul3A_61 : i32
      %add3A_63 = vector.broadcast %mul3A_62 : i32 to vector<16xi32>
      %add3A_64 = arith.addi %iota3A, %add3A_63 : vector<16xi32>
      %sub3A_65 = vector.broadcast %mul3A_2 : i32 to vector<16xi32>
      %sub3A_66 = arith.subi %get3A_60, %sub3A_65 : vector<16xi32>
      %ge3A = arith.constant 0 : i32
      %ge3A_67 = vector.broadcast %ge3A : i32 to vector<16xi32>
      %ge3A_68 = arith.cmpi sge, %sub3A_66, %ge3A_67 : vector<16xi32>
      %lt3A = arith.constant 31250 : i32
      %lt3A_69 = vector.broadcast %lt3A : i32 to vector<16xi32>
      %lt3A_70 = arith.cmpi slt, %sub3A_66, %lt3A_69 : vector<16xi32>
      %and3A_71 = arith.andi %ge3A_68, %lt3A_70 : vector<16xi1>
      %jit3A_72 = arith.constant 0 : i32
      %broadcast_in_dim3A_73 = vector.broadcast %jit3A_72 : i32 to vector<16xi32>
      %select_n3A_74 = arith.select %and3A_71, %sub3A_66, %broadcast_in_dim3A_73 : vector<16xi1>, vector<16xi32>
      %gather3A_75 = tpu.vector_load_idx %arg7[%select_n3A_74] masked %and3A_71 : memref<31250xi32, #tpu.memory_space<vmem>>[vector<16xi32>], vector<16xi32>, vector<16xi1>
      %eq3A = arith.cmpi eq, %gather3A_75, %add3A_64 : vector<16xi32>
      %and3A_76 = arith.andi %and3A_71, %eq3A : vector<16xi1>
      %swap3A = arith.index_cast %scan3A_57 : i32 to index
      %swap3A_77 = tpu.vector_load %arg8[%swap3A] masked %and3A_76 {strides = array<i32>} : memref<16528xi32, #tpu.memory_space<vmem>>, vector<16xi32>, vector<16xi1>
      tpu.vector_store %arg8[%swap3A], %add3A_64 masked %and3A_76 {strides = array<i32>} : memref<16528xi32, #tpu.memory_space<vmem>>, vector<16xi32>, vector<16xi1>
      %convert_element_type3A = arith.extui %and3A_76 : vector<16xi1> to vector<16xi32>
      %reduce_sum3A = arith.constant true
      %reduce_sum3A_78 = vector.broadcast %reduce_sum3A : i1 to vector<16xi1>
      %reduce_sum3A_79 = tpu.scan <sum>, %convert_element_type3A masked %reduce_sum3A_78 : vector<16xi32>, vector<16xi1> -> vector<16xi32>
      %reduce_sum3A_80 = vector.extract %reduce_sum3A_79[15] : i32 from vector<16xi32>
      %add3A_81 = arith.addi %scan3A_57, %reduce_sum3A_80 : i32
      scf.yield %add3A_81 : i32
    }
    %scan3A_14 = arith.constant 1024 : i32
    %broadcast_in_dim3A = arith.constant 0 : i32
    %broadcast_in_dim3A_15 = vector.broadcast %broadcast_in_dim3A : i32 to vector<16xi32>
    %sub3A = arith.constant 1 : i32
    %sub3A_16 = arith.subi %scan3A_13, %sub3A : i32
    %max3A = arith.constant 0 : i32
    %max3A_17 = arith.maxsi %sub3A_16, %max3A : i32
    %add3A_18 = vector.broadcast %max3A_17 : i32 to vector<16xi32>
    %add3A_19 = arith.addi %broadcast_in_dim3A_15, %add3A_18 : vector<16xi32>
    %gather3A = tpu.vector_load_idx %arg8[%add3A_19] : memref<16528xi32, #tpu.memory_space<vmem>>[vector<16xi32>], vector<16xi32>,
    %scan3A_20 = arith.constant 0 : i32
    %scan3A_21 = arith.constant 0 : i32
    %scan3A_22 = arith.constant 8 : i32
    %scan3A_23 = arith.addi %scan3A_21, %scan3A_22 : i32
    %scan3A_24 = arith.constant 1 : i32
    scf.for %scan3A_56 = %scan3A_21 to %scan3A_23 step %scan3A_24  : i32 {
      %mul3A_57 = arith.constant 16 : i32
      %mul3A_58 = arith.muli %scan3A_56, %mul3A_57 : i32
      %add3A_59 = arith.addi %scan3A_13, %mul3A_58 : i32
      %swap3A = arith.index_cast %add3A_59 : i32 to index
      %swap3A_60 = tpu.vector_load %arg8[%swap3A] {strides = array<i32>} : memref<16528xi32, #tpu.memory_space<vmem>>, vector<16xi32>,
      tpu.vector_store %arg8[%swap3A], %gather3A {strides = array<i32>} : memref<16528xi32, #tpu.memory_space<vmem>>, vector<16xi32>,
    }
    %scan3A_25 = arith.constant 8 : i32
    %add3A_26 = arith.constant 128 : i32
    %add3A_27 = arith.addi %scan3A_13, %add3A_26 : i32
    %sub3A_28 = arith.constant 1 : i32
    %sub3A_29 = arith.subi %add3A_27, %sub3A_28 : i32
    %jit3A = arith.constant 128 : i32
    %div3A = arith.divsi %sub3A_29, %jit3A : i32
    %sign3A = arith.constant 0 : i32
    %sign3A_30 = arith.cmpi sgt, %sub3A_29, %sign3A : i32
    %sign3A_31 = arith.extui %sign3A_30 : i1 to i32
    %sign3A_32 = arith.constant 0 : i32
    %sign3A_33 = arith.cmpi slt, %sub3A_29, %sign3A_32 : i32
    %sign3A_34 = arith.extui %sign3A_33 : i1 to i32
    %sign3A_35 = arith.subi %sign3A_31, %sign3A_34 : i32
    %sign3A_36 = arith.constant 0 : i32
    %sign3A_37 = arith.cmpi sgt, %jit3A, %sign3A_36 : i32
    %sign3A_38 = arith.extui %sign3A_37 : i1 to i32
    %sign3A_39 = arith.constant 0 : i32
    %sign3A_40 = arith.cmpi slt, %jit3A, %sign3A_39 : i32
    %sign3A_41 = arith.extui %sign3A_40 : i1 to i32
    %sign3A_42 = arith.subi %sign3A_38, %sign3A_41 : i32
    %ne3A = arith.cmpi ne, %sign3A_35, %sign3A_42 : i32
    %rem3A = arith.remsi %sub3A_29, %jit3A : i32
    %ne3A_43 = arith.constant 0 : i32
    %ne3A_44 = arith.cmpi ne, %rem3A, %ne3A_43 : i32
    %and3A = arith.andi %ne3A, %ne3A_44 : i1
    %sub3A_45 = arith.constant 1 : i32
    %sub3A_46 = arith.subi %div3A, %sub3A_45 : i32
    %select_n3A = arith.select %and3A, %sub3A_46, %div3A : i32
    %while3A = arith.constant 0 : i32
    %while3A_47 = arith.constant 0 : i32
    %while3A_48 = arith.subi %select_n3A, %while3A_47 : i32
    %while3A_49 = arith.addi %while3A_47, %while3A_48 : i32
    %while3A_50 = arith.constant 1 : i32
    %while3A_51 = arith.divsi %while3A_48, %while3A_50 : i32
    %while3A_52 = arith.muli %while3A_51, %while3A_50 : i32
    %while3A_53 = arith.addi %while3A_47, %while3A_52 : i32
    %while3A_54 = arith.constant 1 : i32
    scf.for %while3A_56 = %while3A_47 to %while3A_53 step %while3A_54  : i32 {
      %mul3A_57 = arith.constant 128 : i32
      %mul3A_58 = arith.muli %while3A_56, %mul3A_57 : i32
      %scan3A_59 = arith.constant 0 : i32
      %scan3A_60 = arith.constant 0 : i32
      %mul3A_61 = arith.constant 16 : i32
      %mul3A_62 = arith.muli %scan3A_60, %mul3A_61 : i32
      %add3A_63 = arith.addi %mul3A_58, %mul3A_62 : i32
      %get3A = arith.index_cast %add3A_63 : i32 to index
      %get3A_64 = tpu.vector_load %arg8[%get3A] {strides = array<i32>} : memref<16528xi32, #tpu.memory_space<vmem>>, vector<16xi32>,
      %gather3A_65 = tpu.vector_load_idx %arg6[%get3A_64] : memref<16384xi32, #tpu.memory_space<vmem>>[vector<16xi32>], vector<16xi32>,
      %mul3A_66 = arith.constant 16 : i32
      %mul3A_67 = arith.muli %scan3A_60, %mul3A_66 : i32
      %swap3A = arith.constant 0 : i32
      %swap3A_68 = arith.index_cast %swap3A : i32 to index
      %swap3A_69 = arith.index_cast %mul3A_67 : i32 to index
      %swap3A_70 = tpu.vector_load %arg9[%swap3A_68, %swap3A_69] {strides = array<i32>} : memref<2x128xi32, #tpu.memory_space<vmem>>, vector<16xi32>,
      tpu.vector_store %arg9[%swap3A_68, %swap3A_69], %gather3A_65 {strides = array<i32>} : memref<2x128xi32, #tpu.memory_space<vmem>>, vector<16xi32>,
      %mul3A_71 = arith.constant 16 : i32
      %mul3A_72 = arith.muli %scan3A_60, %mul3A_71 : i32
      %swap3A_73 = arith.constant 1 : i32
      %swap3A_74 = arith.index_cast %swap3A_73 : i32 to index
      %swap3A_75 = arith.index_cast %mul3A_72 : i32 to index
      %swap3A_76 = tpu.vector_load %arg9[%swap3A_74, %swap3A_75] {strides = array<i32>} : memref<2x128xi32, #tpu.memory_space<vmem>>, vector<16xi32>,
      tpu.vector_store %arg9[%swap3A_74, %swap3A_75], %get3A_64 {strides = array<i32>} : memref<2x128xi32, #tpu.memory_space<vmem>>, vector<16xi32>,
      %scan3A_77 = arith.constant 1 : i32
      %mul3A_78 = arith.constant 16 : i32
      %mul3A_79 = arith.muli %scan3A_77, %mul3A_78 : i32
      %add3A_80 = arith.addi %mul3A_58, %mul3A_79 : i32
      %get3A_81 = arith.index_cast %add3A_80 : i32 to index
      %get3A_82 = tpu.vector_load %arg8[%get3A_81] {strides = array<i32>} : memref<16528xi32, #tpu.memory_space<vmem>>, vector<16xi32>,
      %gather3A_83 = tpu.vector_load_idx %arg6[%get3A_82] : memref<16384xi32, #tpu.memory_space<vmem>>[vector<16xi32>], vector<16xi32>,
      %mul3A_84 = arith.constant 16 : i32
      %mul3A_85 = arith.muli %scan3A_77, %mul3A_84 : i32
      %swap3A_86 = arith.constant 0 : i32
      %swap3A_87 = arith.index_cast %swap3A_86 : i32 to index
      %swap3A_88 = arith.index_cast %mul3A_85 : i32 to index
      %swap3A_89 = tpu.vector_load %arg9[%swap3A_87, %swap3A_88] {strides = array<i32>} : memref<2x128xi32, #tpu.memory_space<vmem>>, vector<16xi32>,
      tpu.vector_store %arg9[%swap3A_87, %swap3A_88], %gather3A_83 {strides = array<i32>} : memref<2x128xi32, #tpu.memory_space<vmem>>, vector<16xi32>,
      %mul3A_90 = arith.constant 16 : i32
      %mul3A_91 = arith.muli %scan3A_77, %mul3A_90 : i32
      %swap3A_92 = arith.constant 1 : i32
      %swap3A_93 = arith.index_cast %swap3A_92 : i32 to index
      %swap3A_94 = arith.index_cast %mul3A_91 : i32 to index
      %swap3A_95 = tpu.vector_load %arg9[%swap3A_93, %swap3A_94] {strides = array<i32>} : memref<2x128xi32, #tpu.memory_space<vmem>>, vector<16xi32>,
      tpu.vector_store %arg9[%swap3A_93, %swap3A_94], %get3A_82 {strides = array<i32>} : memref<2x128xi32, #tpu.memory_space<vmem>>, vector<16xi32>,
      %scan3A_96 = arith.constant 2 : i32
      %mul3A_97 = arith.constant 16 : i32
      %mul3A_98 = arith.muli %scan3A_96, %mul3A_97 : i32
      %add3A_99 = arith.addi %mul3A_58, %mul3A_98 : i32
      %get3A_100 = arith.index_cast %add3A_99 : i32 to index
      %get3A_101 = tpu.vector_load %arg8[%get3A_100] {strides = array<i32>} : memref<16528xi32, #tpu.memory_space<vmem>>, vector<16xi32>,
      %gather3A_102 = tpu.vector_load_idx %arg6[%get3A_101] : memref<16384xi32, #tpu.memory_space<vmem>>[vector<16xi32>], vector<16xi32>,
      %mul3A_103 = arith.constant 16 : i32
      %mul3A_104 = arith.muli %scan3A_96, %mul3A_103 : i32
      %swap3A_105 = arith.constant 0 : i32
      %swap3A_106 = arith.index_cast %swap3A_105 : i32 to index
      %swap3A_107 = arith.index_cast %mul3A_104 : i32 to index
      %swap3A_108 = tpu.vector_load %arg9[%swap3A_106, %swap3A_107] {strides = array<i32>} : memref<2x128xi32, #tpu.memory_space<vmem>>, vector<16xi32>,
      tpu.vector_store %arg9[%swap3A_106, %swap3A_107], %gather3A_102 {strides = array<i32>} : memref<2x128xi32, #tpu.memory_space<vmem>>, vector<16xi32>,
      %mul3A_109 = arith.constant 16 : i32
      %mul3A_110 = arith.muli %scan3A_96, %mul3A_109 : i32
      %swap3A_111 = arith.constant 1 : i32
      %swap3A_112 = arith.index_cast %swap3A_111 : i32 to index
      %swap3A_113 = arith.index_cast %mul3A_110 : i32 to index
      %swap3A_114 = tpu.vector_load %arg9[%swap3A_112, %swap3A_113] {strides = array<i32>} : memref<2x128xi32, #tpu.memory_space<vmem>>, vector<16xi32>,
      tpu.vector_store %arg9[%swap3A_112, %swap3A_113], %get3A_101 {strides = array<i32>} : memref<2x128xi32, #tpu.memory_space<vmem>>, vector<16xi32>,
      %scan3A_115 = arith.constant 3 : i32
      %mul3A_116 = arith.constant 16 : i32
      %mul3A_117 = arith.muli %scan3A_115, %mul3A_116 : i32
      %add3A_118 = arith.addi %mul3A_58, %mul3A_117 : i32
      %get3A_119 = arith.index_cast %add3A_118 : i32 to index
      %get3A_120 = tpu.vector_load %arg8[%get3A_119] {strides = array<i32>} : memref<16528xi32, #tpu.memory_space<vmem>>, vector<16xi32>,
      %gather3A_121 = tpu.vector_load_idx %arg6[%get3A_120] : memref<16384xi32, #tpu.memory_space<vmem>>[vector<16xi32>], vector<16xi32>,
      %mul3A_122 = arith.constant 16 : i32
      %mul3A_123 = arith.muli %scan3A_115, %mul3A_122 : i32
      %swap3A_124 = arith.constant 0 : i32
      %swap3A_125 = arith.index_cast %swap3A_124 : i32 to index
      %swap3A_126 = arith.index_cast %mul3A_123 : i32 to index
      %swap3A_127 = tpu.vector_load %arg9[%swap3A_125, %swap3A_126] {strides = array<i32>} : memref<2x128xi32, #tpu.memory_space<vmem>>, vector<16xi32>,
      tpu.vector_store %arg9[%swap3A_125, %swap3A_126], %gather3A_121 {strides = array<i32>} : memref<2x128xi32, #tpu.memory_space<vmem>>, vector<16xi32>,
      %mul3A_128 = arith.constant 16 : i32
      %mul3A_129 = arith.muli %scan3A_115, %mul3A_128 : i32
      %swap3A_130 = arith.constant 1 : i32
      %swap3A_131 = arith.index_cast %swap3A_130 : i32 to index
      %swap3A_132 = arith.index_cast %mul3A_129 : i32 to index
      %swap3A_133 = tpu.vector_load %arg9[%swap3A_131, %swap3A_132] {strides = array<i32>} : memref<2x128xi32, #tpu.memory_space<vmem>>, vector<16xi32>,
      tpu.vector_store %arg9[%swap3A_131, %swap3A_132], %get3A_120 {strides = array<i32>} : memref<2x128xi32, #tpu.memory_space<vmem>>, vector<16xi32>,
      %scan3A_134 = arith.constant 4 : i32
      %mul3A_135 = arith.constant 16 : i32
      %mul3A_136 = arith.muli %scan3A_134, %mul3A_135 : i32
      %add3A_137 = arith.addi %mul3A_58, %mul3A_136 : i32
      %get3A_138 = arith.index_cast %add3A_137 : i32 to index
      %get3A_139 = tpu.vector_load %arg8[%get3A_138] {strides = array<i32>} : memref<16528xi32, #tpu.memory_space<vmem>>, vector<16xi32>,
      %gather3A_140 = tpu.vector_load_idx %arg6[%get3A_139] : memref<16384xi32, #tpu.memory_space<vmem>>[vector<16xi32>], vector<16xi32>,
      %mul3A_141 = arith.constant 16 : i32
      %mul3A_142 = arith.muli %scan3A_134, %mul3A_141 : i32
      %swap3A_143 = arith.constant 0 : i32
      %swap3A_144 = arith.index_cast %swap3A_143 : i32 to index
      %swap3A_145 = arith.index_cast %mul3A_142 : i32 to index
      %swap3A_146 = tpu.vector_load %arg9[%swap3A_144, %swap3A_145] {strides = array<i32>} : memref<2x128xi32, #tpu.memory_space<vmem>>, vector<16xi32>,
      tpu.vector_store %arg9[%swap3A_144, %swap3A_145], %gather3A_140 {strides = array<i32>} : memref<2x128xi32, #tpu.memory_space<vmem>>, vector<16xi32>,
      %mul3A_147 = arith.constant 16 : i32
      %mul3A_148 = arith.muli %scan3A_134, %mul3A_147 : i32
      %swap3A_149 = arith.constant 1 : i32
      %swap3A_150 = arith.index_cast %swap3A_149 : i32 to index
      %swap3A_151 = arith.index_cast %mul3A_148 : i32 to index
      %swap3A_152 = tpu.vector_load %arg9[%swap3A_150, %swap3A_151] {strides = array<i32>} : memref<2x128xi32, #tpu.memory_space<vmem>>, vector<16xi32>,
      tpu.vector_store %arg9[%swap3A_150, %swap3A_151], %get3A_139 {strides = array<i32>} : memref<2x128xi32, #tpu.memory_space<vmem>>, vector<16xi32>,
      %scan3A_153 = arith.constant 5 : i32
      %mul3A_154 = arith.constant 16 : i32
      %mul3A_155 = arith.muli %scan3A_153, %mul3A_154 : i32
      %add3A_156 = arith.addi %mul3A_58, %mul3A_155 : i32
      %get3A_157 = arith.index_cast %add3A_156 : i32 to index
      %get3A_158 = tpu.vector_load %arg8[%get3A_157] {strides = array<i32>} : memref<16528xi32, #tpu.memory_space<vmem>>, vector<16xi32>,
      %gather3A_159 = tpu.vector_load_idx %arg6[%get3A_158] : memref<16384xi32, #tpu.memory_space<vmem>>[vector<16xi32>], vector<16xi32>,
      %mul3A_160 = arith.constant 16 : i32
      %mul3A_161 = arith.muli %scan3A_153, %mul3A_160 : i32
      %swap3A_162 = arith.constant 0 : i32
      %swap3A_163 = arith.index_cast %swap3A_162 : i32 to index
      %swap3A_164 = arith.index_cast %mul3A_161 : i32 to index
      %swap3A_165 = tpu.vector_load %arg9[%swap3A_163, %swap3A_164] {strides = array<i32>} : memref<2x128xi32, #tpu.memory_space<vmem>>, vector<16xi32>,
      tpu.vector_store %arg9[%swap3A_163, %swap3A_164], %gather3A_159 {strides = array<i32>} : memref<2x128xi32, #tpu.memory_space<vmem>>, vector<16xi32>,
      %mul3A_166 = arith.constant 16 : i32
      %mul3A_167 = arith.muli %scan3A_153, %mul3A_166 : i32
      %swap3A_168 = arith.constant 1 : i32
      %swap3A_169 = arith.index_cast %swap3A_168 : i32 to index
      %swap3A_170 = arith.index_cast %mul3A_167 : i32 to index
      %swap3A_171 = tpu.vector_load %arg9[%swap3A_169, %swap3A_170] {strides = array<i32>} : memref<2x128xi32, #tpu.memory_space<vmem>>, vector<16xi32>,
      tpu.vector_store %arg9[%swap3A_169, %swap3A_170], %get3A_158 {strides = array<i32>} : memref<2x128xi32, #tpu.memory_space<vmem>>, vector<16xi32>,
      %scan3A_172 = arith.constant 6 : i32
      %mul3A_173 = arith.constant 16 : i32
      %mul3A_174 = arith.muli %scan3A_172, %mul3A_173 : i32
      %add3A_175 = arith.addi %mul3A_58, %mul3A_174 : i32
      %get3A_176 = arith.index_cast %add3A_175 : i32 to index
      %get3A_177 = tpu.vector_load %arg8[%get3A_176] {strides = array<i32>} : memref<16528xi32, #tpu.memory_space<vmem>>, vector<16xi32>,
      %gather3A_178 = tpu.vector_load_idx %arg6[%get3A_177] : memref<16384xi32, #tpu.memory_space<vmem>>[vector<16xi32>], vector<16xi32>,
      %mul3A_179 = arith.constant 16 : i32
      %mul3A_180 = arith.muli %scan3A_172, %mul3A_179 : i32
      %swap3A_181 = arith.constant 0 : i32
      %swap3A_182 = arith.index_cast %swap3A_181 : i32 to index
      %swap3A_183 = arith.index_cast %mul3A_180 : i32 to index
      %swap3A_184 = tpu.vector_load %arg9[%swap3A_182, %swap3A_183] {strides = array<i32>} : memref<2x128xi32, #tpu.memory_space<vmem>>, vector<16xi32>,
      tpu.vector_store %arg9[%swap3A_182, %swap3A_183], %gather3A_178 {strides = array<i32>} : memref<2x128xi32, #tpu.memory_space<vmem>>, vector<16xi32>,
      %mul3A_185 = arith.constant 16 : i32
      %mul3A_186 = arith.muli %scan3A_172, %mul3A_185 : i32
      %swap3A_187 = arith.constant 1 : i32
      %swap3A_188 = arith.index_cast %swap3A_187 : i32 to index
      %swap3A_189 = arith.index_cast %mul3A_186 : i32 to index
      %swap3A_190 = tpu.vector_load %arg9[%swap3A_188, %swap3A_189] {strides = array<i32>} : memref<2x128xi32, #tpu.memory_space<vmem>>, vector<16xi32>,
      tpu.vector_store %arg9[%swap3A_188, %swap3A_189], %get3A_177 {strides = array<i32>} : memref<2x128xi32, #tpu.memory_space<vmem>>, vector<16xi32>,
      %scan3A_191 = arith.constant 7 : i32
      %mul3A_192 = arith.constant 16 : i32
      %mul3A_193 = arith.muli %scan3A_191, %mul3A_192 : i32
      %add3A_194 = arith.addi %mul3A_58, %mul3A_193 : i32
      %get3A_195 = arith.index_cast %add3A_194 : i32 to index
      %get3A_196 = tpu.vector_load %arg8[%get3A_195] {strides = array<i32>} : memref<16528xi32, #tpu.memory_space<vmem>>, vector<16xi32>,
      %gather3A_197 = tpu.vector_load_idx %arg6[%get3A_196] : memref<16384xi32, #tpu.memory_space<vmem>>[vector<16xi32>], vector<16xi32>,
      %mul3A_198 = arith.constant 16 : i32
      %mul3A_199 = arith.muli %scan3A_191, %mul3A_198 : i32
      %swap3A_200 = arith.constant 0 : i32
      %swap3A_201 = arith.index_cast %swap3A_200 : i32 to index
      %swap3A_202 = arith.index_cast %mul3A_199 : i32 to index
      %swap3A_203 = tpu.vector_load %arg9[%swap3A_201, %swap3A_202] {strides = array<i32>} : memref<2x128xi32, #tpu.memory_space<vmem>>, vector<16xi32>,
      tpu.vector_store %arg9[%swap3A_201, %swap3A_202], %gather3A_197 {strides = array<i32>} : memref<2x128xi32, #tpu.memory_space<vmem>>, vector<16xi32>,
      %mul3A_204 = arith.constant 16 : i32
      %mul3A_205 = arith.muli %scan3A_191, %mul3A_204 : i32
      %swap3A_206 = arith.constant 1 : i32
      %swap3A_207 = arith.index_cast %swap3A_206 : i32 to index
      %swap3A_208 = arith.index_cast %mul3A_205 : i32 to index
      %swap3A_209 = tpu.vector_load %arg9[%swap3A_207, %swap3A_208] {strides = array<i32>} : memref<2x128xi32, #tpu.memory_space<vmem>>, vector<16xi32>,
      tpu.vector_store %arg9[%swap3A_207, %swap3A_208], %get3A_196 {strides = array<i32>} : memref<2x128xi32, #tpu.memory_space<vmem>>, vector<16xi32>,
      %scan3A_210 = arith.constant 8 : i32
      %dma_start3A = arith.constant 0 : i32
      %dma_start3A_211 = arith.constant 0 : i32
      %dma_start3A_212 = tpu.memref_slice %arg9[%dma_start3A, %dma_start3A_211] : memref<2x128xi32, #tpu.memory_space<vmem>> -> memref<1x128xi32, #tpu.memory_space<vmem>>
      %dma_start3A_213 = tpu.memref_squeeze %dma_start3A_212 : memref<1x128xi32, #tpu.memory_space<vmem>> -> memref<128xi32, #tpu.memory_space<vmem>>
      %dma_start3A_214 = arith.constant 0 : i32
      %dma_start3A_215 = arith.constant 0 : i32
      %dma_start3A_216 = tpu.memref_slice %arg4[%dma_start3A_214, %dma_start3A_215] : memref<1000000x64xf32, #tpu.memory_space<hbm>> -> memref<1000000x64xf32, #tpu.memory_space<hbm>>
      tpu.enqueue_indirect_dma source(%dma_start3A_216 : memref<1000000x64xf32, #tpu.memory_space<hbm>>) target(%arg10 : memref<128x64xf32, #tpu.memory_space<vmem>>) offsets(%dma_start3A_213 : memref<128xi32, #tpu.memory_space<vmem>>) semaphore(%arg12 : memref<!tpu.dma_semaphore, #tpu.memory_space<semaphore_mem>>)
      %dma_start3A_217 = arith.constant 1 : i32
      %dma_start3A_218 = arith.constant 0 : i32
      %dma_start3A_219 = tpu.memref_slice %arg9[%dma_start3A_217, %dma_start3A_218] : memref<2x128xi32, #tpu.memory_space<vmem>> -> memref<1x128xi32, #tpu.memory_space<vmem>>
      %dma_start3A_220 = tpu.memref_squeeze %dma_start3A_219 : memref<1x128xi32, #tpu.memory_space<vmem>> -> memref<128xi32, #tpu.memory_space<vmem>>
      %dma_start3A_221 = arith.constant 0 : i32
      %dma_start3A_222 = arith.constant 0 : i32
      %dma_start3A_223 = tpu.memref_slice %arg3[%dma_start3A_221, %dma_start3A_222] : memref<16384x64xf32, #tpu.memory_space<hbm>> -> memref<16384x64xf32, #tpu.memory_space<hbm>>
      tpu.enqueue_indirect_dma source(%dma_start3A_223 : memref<16384x64xf32, #tpu.memory_space<hbm>>) target(%arg11 : memref<128x64xf32, #tpu.memory_space<vmem>>) offsets(%dma_start3A_220 : memref<128xi32, #tpu.memory_space<vmem>>) semaphore(%arg13 : memref<!tpu.dma_semaphore, #tpu.memory_space<semaphore_mem>>)
      %dma_wait3A = arith.constant 0 : i32
      %dma_wait3A_224 = arith.constant 0 : i32
      %dma_wait3A_225 = tpu.memref_slice %arg9[%dma_wait3A, %dma_wait3A_224] : memref<2x128xi32, #tpu.memory_space<vmem>> -> memref<1x128xi32, #tpu.memory_space<vmem>>
      %dma_wait3A_226 = tpu.memref_squeeze %dma_wait3A_225 : memref<1x128xi32, #tpu.memory_space<vmem>> -> memref<128xi32, #tpu.memory_space<vmem>>
      %dma_wait3A_227 = arith.constant 0 : i32
      %dma_wait3A_228 = arith.constant 0 : i32
      %dma_wait3A_229 = tpu.memref_slice %arg4[%dma_wait3A_227, %dma_wait3A_228] : memref<1000000x64xf32, #tpu.memory_space<hbm>> -> memref<1000000x64xf32, #tpu.memory_space<hbm>>
      tpu.wait_indirect_dma semaphore(%arg12 : memref<!tpu.dma_semaphore, #tpu.memory_space<semaphore_mem>>) src(%dma_wait3A_229 : memref<1000000x64xf32, #tpu.memory_space<hbm>>) dst(%arg10 : memref<128x64xf32, #tpu.memory_space<vmem>>)
      %dma_wait3A_230 = arith.constant 1 : i32
      %dma_wait3A_231 = arith.constant 0 : i32
      %dma_wait3A_232 = tpu.memref_slice %arg9[%dma_wait3A_230, %dma_wait3A_231] : memref<2x128xi32, #tpu.memory_space<vmem>> -> memref<1x128xi32, #tpu.memory_space<vmem>>
      %dma_wait3A_233 = tpu.memref_squeeze %dma_wait3A_232 : memref<1x128xi32, #tpu.memory_space<vmem>> -> memref<128xi32, #tpu.memory_space<vmem>>
      %dma_wait3A_234 = arith.constant 0 : i32
      %dma_wait3A_235 = arith.constant 0 : i32
      %dma_wait3A_236 = tpu.memref_slice %arg3[%dma_wait3A_234, %dma_wait3A_235] : memref<16384x64xf32, #tpu.memory_space<hbm>> -> memref<16384x64xf32, #tpu.memory_space<hbm>>
      tpu.wait_indirect_dma semaphore(%arg13 : memref<!tpu.dma_semaphore, #tpu.memory_space<semaphore_mem>>) src(%dma_wait3A_236 : memref<16384x64xf32, #tpu.memory_space<hbm>>) dst(%arg11 : memref<128x64xf32, #tpu.memory_space<vmem>>)
      %scan3A_237 = arith.constant 0 : i32
      %scan3A_238 = arith.constant 0 : i32
      %scan3A_239 = arith.constant 128 : i32
      %scan3A_240 = arith.addi %scan3A_238, %scan3A_239 : i32
      %scan3A_241 = arith.constant 1 : i32
      scf.for %scan3A_243 = %scan3A_238 to %scan3A_240 step %scan3A_241  : i32 {
        %get3A_244 = arith.index_cast %scan3A_243 : i32 to index
        %get3A_245 = arith.constant 0 : index
        %get3A_246 = tpu.vector_load %arg10[%get3A_244, %get3A_245] {strides = array<i32>} : memref<128x64xf32, #tpu.memory_space<vmem>>, vector<16xf32>,
        %mul3A_247 = arith.constant 2.000000e-01 : f32
        %mul3A_248 = vector.broadcast %mul3A_247 : f32 to vector<16xf32>
        %mul3A_249 = arith.mulf %get3A_246, %mul3A_248 : vector<16xf32>
        %get3A_250 = arith.index_cast %scan3A_243 : i32 to index
        %get3A_251 = arith.constant 0 : index
        %get3A_252 = tpu.vector_load %arg11[%get3A_250, %get3A_251] {strides = array<i32>} : memref<128x64xf32, #tpu.memory_space<vmem>>, vector<16xf32>,
        %mul3A_253 = arith.constant 8.000000e-01 : f32
        %mul3A_254 = vector.broadcast %mul3A_253 : f32 to vector<16xf32>
        %mul3A_255 = arith.mulf %get3A_252, %mul3A_254 : vector<16xf32>
        %add3A_256 = arith.addf %mul3A_249, %mul3A_255 : vector<16xf32>
        %swap3A_257 = arith.index_cast %scan3A_243 : i32 to index
        %swap3A_258 = arith.constant 0 : index
        %swap3A_259 = tpu.vector_load %arg10[%swap3A_257, %swap3A_258] {strides = array<i32>} : memref<128x64xf32, #tpu.memory_space<vmem>>, vector<16xf32>,
        tpu.vector_store %arg10[%swap3A_257, %swap3A_258], %add3A_256 {strides = array<i32>} : memref<128x64xf32, #tpu.memory_space<vmem>>, vector<16xf32>,
        %get3A_260 = arith.index_cast %scan3A_243 : i32 to index
        %get3A_261 = arith.constant 16 : index
        %get3A_262 = tpu.vector_load %arg10[%get3A_260, %get3A_261] {strides = array<i32>} : memref<128x64xf32, #tpu.memory_space<vmem>>, vector<16xf32>,
        %mul3A_263 = arith.constant 2.000000e-01 : f32
        %mul3A_264 = vector.broadcast %mul3A_263 : f32 to vector<16xf32>
        %mul3A_265 = arith.mulf %get3A_262, %mul3A_264 : vector<16xf32>
        %get3A_266 = arith.index_cast %scan3A_243 : i32 to index
        %get3A_267 = arith.constant 16 : index
        %get3A_268 = tpu.vector_load %arg11[%get3A_266, %get3A_267] {strides = array<i32>} : memref<128x64xf32, #tpu.memory_space<vmem>>, vector<16xf32>,
        %mul3A_269 = arith.constant 8.000000e-01 : f32
        %mul3A_270 = vector.broadcast %mul3A_269 : f32 to vector<16xf32>
        %mul3A_271 = arith.mulf %get3A_268, %mul3A_270 : vector<16xf32>
        %add3A_272 = arith.addf %mul3A_265, %mul3A_271 : vector<16xf32>
        %swap3A_273 = arith.index_cast %scan3A_243 : i32 to index
        %swap3A_274 = arith.constant 16 : index
        %swap3A_275 = tpu.vector_load %arg10[%swap3A_273, %swap3A_274] {strides = array<i32>} : memref<128x64xf32, #tpu.memory_space<vmem>>, vector<16xf32>,
        tpu.vector_store %arg10[%swap3A_273, %swap3A_274], %add3A_272 {strides = array<i32>} : memref<128x64xf32, #tpu.memory_space<vmem>>, vector<16xf32>,
        %get3A_276 = arith.index_cast %scan3A_243 : i32 to index
        %get3A_277 = arith.constant 32 : index
        %get3A_278 = tpu.vector_load %arg10[%get3A_276, %get3A_277] {strides = array<i32>} : memref<128x64xf32, #tpu.memory_space<vmem>>, vector<16xf32>,
        %mul3A_279 = arith.constant 2.000000e-01 : f32
        %mul3A_280 = vector.broadcast %mul3A_279 : f32 to vector<16xf32>
        %mul3A_281 = arith.mulf %get3A_278, %mul3A_280 : vector<16xf32>
        %get3A_282 = arith.index_cast %scan3A_243 : i32 to index
        %get3A_283 = arith.constant 32 : index
        %get3A_284 = tpu.vector_load %arg11[%get3A_282, %get3A_283] {strides = array<i32>} : memref<128x64xf32, #tpu.memory_space<vmem>>, vector<16xf32>,
        %mul3A_285 = arith.constant 8.000000e-01 : f32
        %mul3A_286 = vector.broadcast %mul3A_285 : f32 to vector<16xf32>
        %mul3A_287 = arith.mulf %get3A_284, %mul3A_286 : vector<16xf32>
        %add3A_288 = arith.addf %mul3A_281, %mul3A_287 : vector<16xf32>
        %swap3A_289 = arith.index_cast %scan3A_243 : i32 to index
        %swap3A_290 = arith.constant 32 : index
        %swap3A_291 = tpu.vector_load %arg10[%swap3A_289, %swap3A_290] {strides = array<i32>} : memref<128x64xf32, #tpu.memory_space<vmem>>, vector<16xf32>,
        tpu.vector_store %arg10[%swap3A_289, %swap3A_290], %add3A_288 {strides = array<i32>} : memref<128x64xf32, #tpu.memory_space<vmem>>, vector<16xf32>,
        %get3A_292 = arith.index_cast %scan3A_243 : i32 to index
        %get3A_293 = arith.constant 48 : index
        %get3A_294 = tpu.vector_load %arg10[%get3A_292, %get3A_293] {strides = array<i32>} : memref<128x64xf32, #tpu.memory_space<vmem>>, vector<16xf32>,
        %mul3A_295 = arith.constant 2.000000e-01 : f32
        %mul3A_296 = vector.broadcast %mul3A_295 : f32 to vector<16xf32>
        %mul3A_297 = arith.mulf %get3A_294, %mul3A_296 : vector<16xf32>
        %get3A_298 = arith.index_cast %scan3A_243 : i32 to index
        %get3A_299 = arith.constant 48 : index
        %get3A_300 = tpu.vector_load %arg11[%get3A_298, %get3A_299] {strides = array<i32>} : memref<128x64xf32, #tpu.memory_space<vmem>>, vector<16xf32>,
        %mul3A_301 = arith.constant 8.000000e-01 : f32
        %mul3A_302 = vector.broadcast %mul3A_301 : f32 to vector<16xf32>
        %mul3A_303 = arith.mulf %get3A_300, %mul3A_302 : vector<16xf32>
        %add3A_304 = arith.addf %mul3A_297, %mul3A_303 : vector<16xf32>
        %swap3A_305 = arith.index_cast %scan3A_243 : i32 to index
        %swap3A_306 = arith.constant 48 : index
        %swap3A_307 = tpu.vector_load %arg10[%swap3A_305, %swap3A_306] {strides = array<i32>} : memref<128x64xf32, #tpu.memory_space<vmem>>, vector<16xf32>,
        tpu.vector_store %arg10[%swap3A_305, %swap3A_306], %add3A_304 {strides = array<i32>} : memref<128x64xf32, #tpu.memory_space<vmem>>, vector<16xf32>,
      }
      %scan3A_242 = arith.constant 128 : i32
      %run_scoped3A = arith.constant 0 : i32
      "tpu.region"() ({
        %run_scoped3A_243 = tpu.sem_alloc : memref<!tpu.dma_semaphore, #tpu.memory_space<semaphore_mem>>
        %dma_start3A_244 = arith.constant 0 : i32
        %dma_start3A_245 = tpu.memref_slice %arg9[%run_scoped3A, %dma_start3A_244] : memref<2x128xi32, #tpu.memory_space<vmem>> -> memref<1x128xi32, #tpu.memory_space<vmem>>
        %dma_start3A_246 = tpu.memref_squeeze %dma_start3A_245 : memref<1x128xi32, #tpu.memory_space<vmem>> -> memref<128xi32, #tpu.memory_space<vmem>>
        %dma_start3A_247 = arith.constant 0 : i32
        %dma_start3A_248 = arith.constant 0 : i32
        %dma_start3A_249 = tpu.memref_slice %arg4[%dma_start3A_247, %dma_start3A_248] : memref<1000000x64xf32, #tpu.memory_space<hbm>> -> memref<1000000x64xf32, #tpu.memory_space<hbm>>
        tpu.enqueue_indirect_dma source(%arg10 : memref<128x64xf32, #tpu.memory_space<vmem>>) target(%dma_start3A_249 : memref<1000000x64xf32, #tpu.memory_space<hbm>>) offsets(%dma_start3A_246 : memref<128xi32, #tpu.memory_space<vmem>>) semaphore(%run_scoped3A_243 : memref<!tpu.dma_semaphore, #tpu.memory_space<semaphore_mem>>)
        %dma_wait3A_250 = arith.constant 0 : i32
        %dma_wait3A_251 = tpu.memref_slice %arg9[%run_scoped3A, %dma_wait3A_250] : memref<2x128xi32, #tpu.memory_space<vmem>> -> memref<1x128xi32, #tpu.memory_space<vmem>>
        %dma_wait3A_252 = tpu.memref_squeeze %dma_wait3A_251 : memref<1x128xi32, #tpu.memory_space<vmem>> -> memref<128xi32, #tpu.memory_space<vmem>>
        %dma_wait3A_253 = arith.constant 0 : i32
        %dma_wait3A_254 = arith.constant 0 : i32
        %dma_wait3A_255 = tpu.memref_slice %arg4[%dma_wait3A_253, %dma_wait3A_254] : memref<1000000x64xf32, #tpu.memory_space<hbm>> -> memref<1000000x64xf32, #tpu.memory_space<hbm>>
        tpu.wait_indirect_dma semaphore(%run_scoped3A_243 : memref<!tpu.dma_semaphore, #tpu.memory_space<semaphore_mem>>) src(%arg10 : memref<128x64xf32, #tpu.memory_space<vmem>>) dst(%dma_wait3A_255 : memref<1000000x64xf32, #tpu.memory_space<hbm>>)
        tpu.yield
      }) : () -> ()
    }
    %while3A_55 = arith.constant 1 : i32
    scf.for %while3A_56 = %while3A_53 to %while3A_49 step %while3A_55  : i32 {
      %mul3A_57 = arith.constant 128 : i32
      %mul3A_58 = arith.muli %while3A_56, %mul3A_57 : i32
      %scan3A_59 = arith.constant 0 : i32
      %scan3A_60 = arith.constant 0 : i32
      %mul3A_61 = arith.constant 16 : i32
      %mul3A_62 = arith.muli %scan3A_60, %mul3A_61 : i32
      %add3A_63 = arith.addi %mul3A_58, %mul3A_62 : i32
      %get3A = arith.index_cast %add3A_63 : i32 to index
      %get3A_64 = tpu.vector_load %arg8[%get3A] {strides = array<i32>} : memref<16528xi32, #tpu.memory_space<vmem>>, vector<16xi32>,
      %gather3A_65 = tpu.vector_load_idx %arg6[%get3A_64] : memref<16384xi32, #tpu.memory_space<vmem>>[vector<16xi32>], vector<16xi32>,
      %mul3A_66 = arith.constant 16 : i32
      %mul3A_67 = arith.muli %scan3A_60, %mul3A_66 : i32
      %swap3A = arith.constant 0 : i32
      %swap3A_68 = arith.index_cast %swap3A : i32 to index
      %swap3A_69 = arith.index_cast %mul3A_67 : i32 to index
      %swap3A_70 = tpu.vector_load %arg9[%swap3A_68, %swap3A_69] {strides = array<i32>} : memref<2x128xi32, #tpu.memory_space<vmem>>, vector<16xi32>,
      tpu.vector_store %arg9[%swap3A_68, %swap3A_69], %gather3A_65 {strides = array<i32>} : memref<2x128xi32, #tpu.memory_space<vmem>>, vector<16xi32>,
      %mul3A_71 = arith.constant 16 : i32
      %mul3A_72 = arith.muli %scan3A_60, %mul3A_71 : i32
      %swap3A_73 = arith.constant 1 : i32
      %swap3A_74 = arith.index_cast %swap3A_73 : i32 to index
      %swap3A_75 = arith.index_cast %mul3A_72 : i32 to index
      %swap3A_76 = tpu.vector_load %arg9[%swap3A_74, %swap3A_75] {strides = array<i32>} : memref<2x128xi32, #tpu.memory_space<vmem>>, vector<16xi32>,
      tpu.vector_store %arg9[%swap3A_74, %swap3A_75], %get3A_64 {strides = array<i32>} : memref<2x128xi32, #tpu.memory_space<vmem>>, vector<16xi32>,
      %scan3A_77 = arith.constant 1 : i32
      %mul3A_78 = arith.constant 16 : i32
      %mul3A_79 = arith.muli %scan3A_77, %mul3A_78 : i32
      %add3A_80 = arith.addi %mul3A_58, %mul3A_79 : i32
      %get3A_81 = arith.index_cast %add3A_80 : i32 to index
      %get3A_82 = tpu.vector_load %arg8[%get3A_81] {strides = array<i32>} : memref<16528xi32, #tpu.memory_space<vmem>>, vector<16xi32>,
      %gather3A_83 = tpu.vector_load_idx %arg6[%get3A_82] : memref<16384xi32, #tpu.memory_space<vmem>>[vector<16xi32>], vector<16xi32>,
      %mul3A_84 = arith.constant 16 : i32
      %mul3A_85 = arith.muli %scan3A_77, %mul3A_84 : i32
      %swap3A_86 = arith.constant 0 : i32
      %swap3A_87 = arith.index_cast %swap3A_86 : i32 to index
      %swap3A_88 = arith.index_cast %mul3A_85 : i32 to index
      %swap3A_89 = tpu.vector_load %arg9[%swap3A_87, %swap3A_88] {strides = array<i32>} : memref<2x128xi32, #tpu.memory_space<vmem>>, vector<16xi32>,
      tpu.vector_store %arg9[%swap3A_87, %swap3A_88], %gather3A_83 {strides = array<i32>} : memref<2x128xi32, #tpu.memory_space<vmem>>, vector<16xi32>,
      %mul3A_90 = arith.constant 16 : i32
      %mul3A_91 = arith.muli %scan3A_77, %mul3A_90 : i32
      %swap3A_92 = arith.constant 1 : i32
      %swap3A_93 = arith.index_cast %swap3A_92 : i32 to index
      %swap3A_94 = arith.index_cast %mul3A_91 : i32 to index
      %swap3A_95 = tpu.vector_load %arg9[%swap3A_93, %swap3A_94] {strides = array<i32>} : memref<2x128xi32, #tpu.memory_space<vmem>>, vector<16xi32>,
      tpu.vector_store %arg9[%swap3A_93, %swap3A_94], %get3A_82 {strides = array<i32>} : memref<2x128xi32, #tpu.memory_space<vmem>>, vector<16xi32>,
      %scan3A_96 = arith.constant 2 : i32
      %mul3A_97 = arith.constant 16 : i32
      %mul3A_98 = arith.muli %scan3A_96, %mul3A_97 : i32
      %add3A_99 = arith.addi %mul3A_58, %mul3A_98 : i32
      %get3A_100 = arith.index_cast %add3A_99 : i32 to index
      %get3A_101 = tpu.vector_load %arg8[%get3A_100] {strides = array<i32>} : memref<16528xi32, #tpu.memory_space<vmem>>, vector<16xi32>,
      %gather3A_102 = tpu.vector_load_idx %arg6[%get3A_101] : memref<16384xi32, #tpu.memory_space<vmem>>[vector<16xi32>], vector<16xi32>,
      %mul3A_103 = arith.constant 16 : i32
      %mul3A_104 = arith.muli %scan3A_96, %mul3A_103 : i32
      %swap3A_105 = arith.constant 0 : i32
      %swap3A_106 = arith.index_cast %swap3A_105 : i32 to index
      %swap3A_107 = arith.index_cast %mul3A_104 : i32 to index
      %swap3A_108 = tpu.vector_load %arg9[%swap3A_106, %swap3A_107] {strides = array<i32>} : memref<2x128xi32, #tpu.memory_space<vmem>>, vector<16xi32>,
      tpu.vector_store %arg9[%swap3A_106, %swap3A_107], %gather3A_102 {strides = array<i32>} : memref<2x128xi32, #tpu.memory_space<vmem>>, vector<16xi32>,
      %mul3A_109 = arith.constant 16 : i32
      %mul3A_110 = arith.muli %scan3A_96, %mul3A_109 : i32
      %swap3A_111 = arith.constant 1 : i32
      %swap3A_112 = arith.index_cast %swap3A_111 : i32 to index
      %swap3A_113 = arith.index_cast %mul3A_110 : i32 to index
      %swap3A_114 = tpu.vector_load %arg9[%swap3A_112, %swap3A_113] {strides = array<i32>} : memref<2x128xi32, #tpu.memory_space<vmem>>, vector<16xi32>,
      tpu.vector_store %arg9[%swap3A_112, %swap3A_113], %get3A_101 {strides = array<i32>} : memref<2x128xi32, #tpu.memory_space<vmem>>, vector<16xi32>,
      %scan3A_115 = arith.constant 3 : i32
      %mul3A_116 = arith.constant 16 : i32
      %mul3A_117 = arith.muli %scan3A_115, %mul3A_116 : i32
      %add3A_118 = arith.addi %mul3A_58, %mul3A_117 : i32
      %get3A_119 = arith.index_cast %add3A_118 : i32 to index
      %get3A_120 = tpu.vector_load %arg8[%get3A_119] {strides = array<i32>} : memref<16528xi32, #tpu.memory_space<vmem>>, vector<16xi32>,
      %gather3A_121 = tpu.vector_load_idx %arg6[%get3A_120] : memref<16384xi32, #tpu.memory_space<vmem>>[vector<16xi32>], vector<16xi32>,
      %mul3A_122 = arith.constant 16 : i32
      %mul3A_123 = arith.muli %scan3A_115, %mul3A_122 : i32
      %swap3A_124 = arith.constant 0 : i32
      %swap3A_125 = arith.index_cast %swap3A_124 : i32 to index
      %swap3A_126 = arith.index_cast %mul3A_123 : i32 to index
      %swap3A_127 = tpu.vector_load %arg9[%swap3A_125, %swap3A_126] {strides = array<i32>} : memref<2x128xi32, #tpu.memory_space<vmem>>, vector<16xi32>,
      tpu.vector_store %arg9[%swap3A_125, %swap3A_126], %gather3A_121 {strides = array<i32>} : memref<2x128xi32, #tpu.memory_space<vmem>>, vector<16xi32>,
      %mul3A_128 = arith.constant 16 : i32
      %mul3A_129 = arith.muli %scan3A_115, %mul3A_128 : i32
      %swap3A_130 = arith.constant 1 : i32
      %swap3A_131 = arith.index_cast %swap3A_130 : i32 to index
      %swap3A_132 = arith.index_cast %mul3A_129 : i32 to index
      %swap3A_133 = tpu.vector_load %arg9[%swap3A_131, %swap3A_132] {strides = array<i32>} : memref<2x128xi32, #tpu.memory_space<vmem>>, vector<16xi32>,
      tpu.vector_store %arg9[%swap3A_131, %swap3A_132], %get3A_120 {strides = array<i32>} : memref<2x128xi32, #tpu.memory_space<vmem>>, vector<16xi32>,
      %scan3A_134 = arith.constant 4 : i32
      %mul3A_135 = arith.constant 16 : i32
      %mul3A_136 = arith.muli %scan3A_134, %mul3A_135 : i32
      %add3A_137 = arith.addi %mul3A_58, %mul3A_136 : i32
      %get3A_138 = arith.index_cast %add3A_137 : i32 to index
      %get3A_139 = tpu.vector_load %arg8[%get3A_138] {strides = array<i32>} : memref<16528xi32, #tpu.memory_space<vmem>>, vector<16xi32>,
      %gather3A_140 = tpu.vector_load_idx %arg6[%get3A_139] : memref<16384xi32, #tpu.memory_space<vmem>>[vector<16xi32>], vector<16xi32>,
      %mul3A_141 = arith.constant 16 : i32
      %mul3A_142 = arith.muli %scan3A_134, %mul3A_141 : i32
      %swap3A_143 = arith.constant 0 : i32
      %swap3A_144 = arith.index_cast %swap3A_143 : i32 to index
      %swap3A_145 = arith.index_cast %mul3A_142 : i32 to index
      %swap3A_146 = tpu.vector_load %arg9[%swap3A_144, %swap3A_145] {strides = array<i32>} : memref<2x128xi32, #tpu.memory_space<vmem>>, vector<16xi32>,
      tpu.vector_store %arg9[%swap3A_144, %swap3A_145], %gather3A_140 {strides = array<i32>} : memref<2x128xi32, #tpu.memory_space<vmem>>, vector<16xi32>,
      %mul3A_147 = arith.constant 16 : i32
      %mul3A_148 = arith.muli %scan3A_134, %mul3A_147 : i32
      %swap3A_149 = arith.constant 1 : i32
      %swap3A_150 = arith.index_cast %swap3A_149 : i32 to index
      %swap3A_151 = arith.index_cast %mul3A_148 : i32 to index
      %swap3A_152 = tpu.vector_load %arg9[%swap3A_150, %swap3A_151] {strides = array<i32>} : memref<2x128xi32, #tpu.memory_space<vmem>>, vector<16xi32>,
      tpu.vector_store %arg9[%swap3A_150, %swap3A_151], %get3A_139 {strides = array<i32>} : memref<2x128xi32, #tpu.memory_space<vmem>>, vector<16xi32>,
      %scan3A_153 = arith.constant 5 : i32
      %mul3A_154 = arith.constant 16 : i32
      %mul3A_155 = arith.muli %scan3A_153, %mul3A_154 : i32
      %add3A_156 = arith.addi %mul3A_58, %mul3A_155 : i32
      %get3A_157 = arith.index_cast %add3A_156 : i32 to index
      %get3A_158 = tpu.vector_load %arg8[%get3A_157] {strides = array<i32>} : memref<16528xi32, #tpu.memory_space<vmem>>, vector<16xi32>,
      %gather3A_159 = tpu.vector_load_idx %arg6[%get3A_158] : memref<16384xi32, #tpu.memory_space<vmem>>[vector<16xi32>], vector<16xi32>,
      %mul3A_160 = arith.constant 16 : i32
      %mul3A_161 = arith.muli %scan3A_153, %mul3A_160 : i32
      %swap3A_162 = arith.constant 0 : i32
      %swap3A_163 = arith.index_cast %swap3A_162 : i32 to index
      %swap3A_164 = arith.index_cast %mul3A_161 : i32 to index
      %swap3A_165 = tpu.vector_load %arg9[%swap3A_163, %swap3A_164] {strides = array<i32>} : memref<2x128xi32, #tpu.memory_space<vmem>>, vector<16xi32>,
      tpu.vector_store %arg9[%swap3A_163, %swap3A_164], %gather3A_159 {strides = array<i32>} : memref<2x128xi32, #tpu.memory_space<vmem>>, vector<16xi32>,
      %mul3A_166 = arith.constant 16 : i32
      %mul3A_167 = arith.muli %scan3A_153, %mul3A_166 : i32
      %swap3A_168 = arith.constant 1 : i32
      %swap3A_169 = arith.index_cast %swap3A_168 : i32 to index
      %swap3A_170 = arith.index_cast %mul3A_167 : i32 to index
      %swap3A_171 = tpu.vector_load %arg9[%swap3A_169, %swap3A_170] {strides = array<i32>} : memref<2x128xi32, #tpu.memory_space<vmem>>, vector<16xi32>,
      tpu.vector_store %arg9[%swap3A_169, %swap3A_170], %get3A_158 {strides = array<i32>} : memref<2x128xi32, #tpu.memory_space<vmem>>, vector<16xi32>,
      %scan3A_172 = arith.constant 6 : i32
      %mul3A_173 = arith.constant 16 : i32
      %mul3A_174 = arith.muli %scan3A_172, %mul3A_173 : i32
      %add3A_175 = arith.addi %mul3A_58, %mul3A_174 : i32
      %get3A_176 = arith.index_cast %add3A_175 : i32 to index
      %get3A_177 = tpu.vector_load %arg8[%get3A_176] {strides = array<i32>} : memref<16528xi32, #tpu.memory_space<vmem>>, vector<16xi32>,
      %gather3A_178 = tpu.vector_load_idx %arg6[%get3A_177] : memref<16384xi32, #tpu.memory_space<vmem>>[vector<16xi32>], vector<16xi32>,
      %mul3A_179 = arith.constant 16 : i32
      %mul3A_180 = arith.muli %scan3A_172, %mul3A_179 : i32
      %swap3A_181 = arith.constant 0 : i32
      %swap3A_182 = arith.index_cast %swap3A_181 : i32 to index
      %swap3A_183 = arith.index_cast %mul3A_180 : i32 to index
      %swap3A_184 = tpu.vector_load %arg9[%swap3A_182, %swap3A_183] {strides = array<i32>} : memref<2x128xi32, #tpu.memory_space<vmem>>, vector<16xi32>,
      tpu.vector_store %arg9[%swap3A_182, %swap3A_183], %gather3A_178 {strides = array<i32>} : memref<2x128xi32, #tpu.memory_space<vmem>>, vector<16xi32>,
      %mul3A_185 = arith.constant 16 : i32
      %mul3A_186 = arith.muli %scan3A_172, %mul3A_185 : i32
      %swap3A_187 = arith.constant 1 : i32
      %swap3A_188 = arith.index_cast %swap3A_187 : i32 to index
      %swap3A_189 = arith.index_cast %mul3A_186 : i32 to index
      %swap3A_190 = tpu.vector_load %arg9[%swap3A_188, %swap3A_189] {strides = array<i32>} : memref<2x128xi32, #tpu.memory_space<vmem>>, vector<16xi32>,
      tpu.vector_store %arg9[%swap3A_188, %swap3A_189], %get3A_177 {strides = array<i32>} : memref<2x128xi32, #tpu.memory_space<vmem>>, vector<16xi32>,
      %scan3A_191 = arith.constant 7 : i32
      %mul3A_192 = arith.constant 16 : i32
      %mul3A_193 = arith.muli %scan3A_191, %mul3A_192 : i32
      %add3A_194 = arith.addi %mul3A_58, %mul3A_193 : i32
      %get3A_195 = arith.index_cast %add3A_194 : i32 to index
      %get3A_196 = tpu.vector_load %arg8[%get3A_195] {strides = array<i32>} : memref<16528xi32, #tpu.memory_space<vmem>>, vector<16xi32>,
      %gather3A_197 = tpu.vector_load_idx %arg6[%get3A_196] : memref<16384xi32, #tpu.memory_space<vmem>>[vector<16xi32>], vector<16xi32>,
      %mul3A_198 = arith.constant 16 : i32
      %mul3A_199 = arith.muli %scan3A_191, %mul3A_198 : i32
      %swap3A_200 = arith.constant 0 : i32
      %swap3A_201 = arith.index_cast %swap3A_200 : i32 to index
      %swap3A_202 = arith.index_cast %mul3A_199 : i32 to index
      %swap3A_203 = tpu.vector_load %arg9[%swap3A_201, %swap3A_202] {strides = array<i32>} : memref<2x128xi32, #tpu.memory_space<vmem>>, vector<16xi32>,
      tpu.vector_store %arg9[%swap3A_201, %swap3A_202], %gather3A_197 {strides = array<i32>} : memref<2x128xi32, #tpu.memory_space<vmem>>, vector<16xi32>,
      %mul3A_204 = arith.constant 16 : i32
      %mul3A_205 = arith.muli %scan3A_191, %mul3A_204 : i32
      %swap3A_206 = arith.constant 1 : i32
      %swap3A_207 = arith.index_cast %swap3A_206 : i32 to index
      %swap3A_208 = arith.index_cast %mul3A_205 : i32 to index
      %swap3A_209 = tpu.vector_load %arg9[%swap3A_207, %swap3A_208] {strides = array<i32>} : memref<2x128xi32, #tpu.memory_space<vmem>>, vector<16xi32>,
      tpu.vector_store %arg9[%swap3A_207, %swap3A_208], %get3A_196 {strides = array<i32>} : memref<2x128xi32, #tpu.memory_space<vmem>>, vector<16xi32>,
      %scan3A_210 = arith.constant 8 : i32
      %dma_start3A = arith.constant 0 : i32
      %dma_start3A_211 = arith.constant 0 : i32
      %dma_start3A_212 = tpu.memref_slice %arg9[%dma_start3A, %dma_start3A_211] : memref<2x128xi32, #tpu.memory_space<vmem>> -> memref<1x128xi32, #tpu.memory_space<vmem>>
      %dma_start3A_213 = tpu.memref_squeeze %dma_start3A_212 : memref<1x128xi32, #tpu.memory_space<vmem>> -> memref<128xi32, #tpu.memory_space<vmem>>
      %dma_start3A_214 = arith.constant 0 : i32
      %dma_start3A_215 = arith.constant 0 : i32
      %dma_start3A_216 = tpu.memref_slice %arg4[%dma_start3A_214, %dma_start3A_215] : memref<1000000x64xf32, #tpu.memory_space<hbm>> -> memref<1000000x64xf32, #tpu.memory_space<hbm>>
      tpu.enqueue_indirect_dma source(%dma_start3A_216 : memref<1000000x64xf32, #tpu.memory_space<hbm>>) target(%arg10 : memref<128x64xf32, #tpu.memory_space<vmem>>) offsets(%dma_start3A_213 : memref<128xi32, #tpu.memory_space<vmem>>) semaphore(%arg12 : memref<!tpu.dma_semaphore, #tpu.memory_space<semaphore_mem>>)
      %dma_start3A_217 = arith.constant 1 : i32
      %dma_start3A_218 = arith.constant 0 : i32
      %dma_start3A_219 = tpu.memref_slice %arg9[%dma_start3A_217, %dma_start3A_218] : memref<2x128xi32, #tpu.memory_space<vmem>> -> memref<1x128xi32, #tpu.memory_space<vmem>>
      %dma_start3A_220 = tpu.memref_squeeze %dma_start3A_219 : memref<1x128xi32, #tpu.memory_space<vmem>> -> memref<128xi32, #tpu.memory_space<vmem>>
      %dma_start3A_221 = arith.constant 0 : i32
      %dma_start3A_222 = arith.constant 0 : i32
      %dma_start3A_223 = tpu.memref_slice %arg3[%dma_start3A_221, %dma_start3A_222] : memref<16384x64xf32, #tpu.memory_space<hbm>> -> memref<16384x64xf32, #tpu.memory_space<hbm>>
      tpu.enqueue_indirect_dma source(%dma_start3A_223 : memref<16384x64xf32, #tpu.memory_space<hbm>>) target(%arg11 : memref<128x64xf32, #tpu.memory_space<vmem>>) offsets(%dma_start3A_220 : memref<128xi32, #tpu.memory_space<vmem>>) semaphore(%arg13 : memref<!tpu.dma_semaphore, #tpu.memory_space<semaphore_mem>>)
      %dma_wait3A = arith.constant 0 : i32
      %dma_wait3A_224 = arith.constant 0 : i32
      %dma_wait3A_225 = tpu.memref_slice %arg9[%dma_wait3A, %dma_wait3A_224] : memref<2x128xi32, #tpu.memory_space<vmem>> -> memref<1x128xi32, #tpu.memory_space<vmem>>
      %dma_wait3A_226 = tpu.memref_squeeze %dma_wait3A_225 : memref<1x128xi32, #tpu.memory_space<vmem>> -> memref<128xi32, #tpu.memory_space<vmem>>
      %dma_wait3A_227 = arith.constant 0 : i32
      %dma_wait3A_228 = arith.constant 0 : i32
      %dma_wait3A_229 = tpu.memref_slice %arg4[%dma_wait3A_227, %dma_wait3A_228] : memref<1000000x64xf32, #tpu.memory_space<hbm>> -> memref<1000000x64xf32, #tpu.memory_space<hbm>>
      tpu.wait_indirect_dma semaphore(%arg12 : memref<!tpu.dma_semaphore, #tpu.memory_space<semaphore_mem>>) src(%dma_wait3A_229 : memref<1000000x64xf32, #tpu.memory_space<hbm>>) dst(%arg10 : memref<128x64xf32, #tpu.memory_space<vmem>>)
      %dma_wait3A_230 = arith.constant 1 : i32
      %dma_wait3A_231 = arith.constant 0 : i32
      %dma_wait3A_232 = tpu.memref_slice %arg9[%dma_wait3A_230, %dma_wait3A_231] : memref<2x128xi32, #tpu.memory_space<vmem>> -> memref<1x128xi32, #tpu.memory_space<vmem>>
      %dma_wait3A_233 = tpu.memref_squeeze %dma_wait3A_232 : memref<1x128xi32, #tpu.memory_space<vmem>> -> memref<128xi32, #tpu.memory_space<vmem>>
      %dma_wait3A_234 = arith.constant 0 : i32
      %dma_wait3A_235 = arith.constant 0 : i32
      %dma_wait3A_236 = tpu.memref_slice %arg3[%dma_wait3A_234, %dma_wait3A_235] : memref<16384x64xf32, #tpu.memory_space<hbm>> -> memref<16384x64xf32, #tpu.memory_space<hbm>>
      tpu.wait_indirect_dma semaphore(%arg13 : memref<!tpu.dma_semaphore, #tpu.memory_space<semaphore_mem>>) src(%dma_wait3A_236 : memref<16384x64xf32, #tpu.memory_space<hbm>>) dst(%arg11 : memref<128x64xf32, #tpu.memory_space<vmem>>)
      %scan3A_237 = arith.constant 0 : i32
      %scan3A_238 = arith.constant 0 : i32
      %scan3A_239 = arith.constant 128 : i32
      %scan3A_240 = arith.addi %scan3A_238, %scan3A_239 : i32
      %scan3A_241 = arith.constant 1 : i32
      scf.for %scan3A_243 = %scan3A_238 to %scan3A_240 step %scan3A_241  : i32 {
        %get3A_244 = arith.index_cast %scan3A_243 : i32 to index
        %get3A_245 = arith.constant 0 : index
        %get3A_246 = tpu.vector_load %arg10[%get3A_244, %get3A_245] {strides = array<i32>} : memref<128x64xf32, #tpu.memory_space<vmem>>, vector<16xf32>,
        %mul3A_247 = arith.constant 2.000000e-01 : f32
        %mul3A_248 = vector.broadcast %mul3A_247 : f32 to vector<16xf32>
        %mul3A_249 = arith.mulf %get3A_246, %mul3A_248 : vector<16xf32>
        %get3A_250 = arith.index_cast %scan3A_243 : i32 to index
        %get3A_251 = arith.constant 0 : index
        %get3A_252 = tpu.vector_load %arg11[%get3A_250, %get3A_251] {strides = array<i32>} : memref<128x64xf32, #tpu.memory_space<vmem>>, vector<16xf32>,
        %mul3A_253 = arith.constant 8.000000e-01 : f32
        %mul3A_254 = vector.broadcast %mul3A_253 : f32 to vector<16xf32>
        %mul3A_255 = arith.mulf %get3A_252, %mul3A_254 : vector<16xf32>
        %add3A_256 = arith.addf %mul3A_249, %mul3A_255 : vector<16xf32>
        %swap3A_257 = arith.index_cast %scan3A_243 : i32 to index
        %swap3A_258 = arith.constant 0 : index
        %swap3A_259 = tpu.vector_load %arg10[%swap3A_257, %swap3A_258] {strides = array<i32>} : memref<128x64xf32, #tpu.memory_space<vmem>>, vector<16xf32>,
        tpu.vector_store %arg10[%swap3A_257, %swap3A_258], %add3A_256 {strides = array<i32>} : memref<128x64xf32, #tpu.memory_space<vmem>>, vector<16xf32>,
        %get3A_260 = arith.index_cast %scan3A_243 : i32 to index
        %get3A_261 = arith.constant 16 : index
        %get3A_262 = tpu.vector_load %arg10[%get3A_260, %get3A_261] {strides = array<i32>} : memref<128x64xf32, #tpu.memory_space<vmem>>, vector<16xf32>,
        %mul3A_263 = arith.constant 2.000000e-01 : f32
        %mul3A_264 = vector.broadcast %mul3A_263 : f32 to vector<16xf32>
        %mul3A_265 = arith.mulf %get3A_262, %mul3A_264 : vector<16xf32>
        %get3A_266 = arith.index_cast %scan3A_243 : i32 to index
        %get3A_267 = arith.constant 16 : index
        %get3A_268 = tpu.vector_load %arg11[%get3A_266, %get3A_267] {strides = array<i32>} : memref<128x64xf32, #tpu.memory_space<vmem>>, vector<16xf32>,
        %mul3A_269 = arith.constant 8.000000e-01 : f32
        %mul3A_270 = vector.broadcast %mul3A_269 : f32 to vector<16xf32>
        %mul3A_271 = arith.mulf %get3A_268, %mul3A_270 : vector<16xf32>
        %add3A_272 = arith.addf %mul3A_265, %mul3A_271 : vector<16xf32>
        %swap3A_273 = arith.index_cast %scan3A_243 : i32 to index
        %swap3A_274 = arith.constant 16 : index
        %swap3A_275 = tpu.vector_load %arg10[%swap3A_273, %swap3A_274] {strides = array<i32>} : memref<128x64xf32, #tpu.memory_space<vmem>>, vector<16xf32>,
        tpu.vector_store %arg10[%swap3A_273, %swap3A_274], %add3A_272 {strides = array<i32>} : memref<128x64xf32, #tpu.memory_space<vmem>>, vector<16xf32>,
        %get3A_276 = arith.index_cast %scan3A_243 : i32 to index
        %get3A_277 = arith.constant 32 : index
        %get3A_278 = tpu.vector_load %arg10[%get3A_276, %get3A_277] {strides = array<i32>} : memref<128x64xf32, #tpu.memory_space<vmem>>, vector<16xf32>,
        %mul3A_279 = arith.constant 2.000000e-01 : f32
        %mul3A_280 = vector.broadcast %mul3A_279 : f32 to vector<16xf32>
        %mul3A_281 = arith.mulf %get3A_278, %mul3A_280 : vector<16xf32>
        %get3A_282 = arith.index_cast %scan3A_243 : i32 to index
        %get3A_283 = arith.constant 32 : index
        %get3A_284 = tpu.vector_load %arg11[%get3A_282, %get3A_283] {strides = array<i32>} : memref<128x64xf32, #tpu.memory_space<vmem>>, vector<16xf32>,
        %mul3A_285 = arith.constant 8.000000e-01 : f32
        %mul3A_286 = vector.broadcast %mul3A_285 : f32 to vector<16xf32>
        %mul3A_287 = arith.mulf %get3A_284, %mul3A_286 : vector<16xf32>
        %add3A_288 = arith.addf %mul3A_281, %mul3A_287 : vector<16xf32>
        %swap3A_289 = arith.index_cast %scan3A_243 : i32 to index
        %swap3A_290 = arith.constant 32 : index
        %swap3A_291 = tpu.vector_load %arg10[%swap3A_289, %swap3A_290] {strides = array<i32>} : memref<128x64xf32, #tpu.memory_space<vmem>>, vector<16xf32>,
        tpu.vector_store %arg10[%swap3A_289, %swap3A_290], %add3A_288 {strides = array<i32>} : memref<128x64xf32, #tpu.memory_space<vmem>>, vector<16xf32>,
        %get3A_292 = arith.index_cast %scan3A_243 : i32 to index
        %get3A_293 = arith.constant 48 : index
        %get3A_294 = tpu.vector_load %arg10[%get3A_292, %get3A_293] {strides = array<i32>} : memref<128x64xf32, #tpu.memory_space<vmem>>, vector<16xf32>,
        %mul3A_295 = arith.constant 2.000000e-01 : f32
        %mul3A_296 = vector.broadcast %mul3A_295 : f32 to vector<16xf32>
        %mul3A_297 = arith.mulf %get3A_294, %mul3A_296 : vector<16xf32>
        %get3A_298 = arith.index_cast %scan3A_243 : i32 to index
        %get3A_299 = arith.constant 48 : index
        %get3A_300 = tpu.vector_load %arg11[%get3A_298, %get3A_299] {strides = array<i32>} : memref<128x64xf32, #tpu.memory_space<vmem>>, vector<16xf32>,
        %mul3A_301 = arith.constant 8.000000e-01 : f32
        %mul3A_302 = vector.broadcast %mul3A_301 : f32 to vector<16xf32>
        %mul3A_303 = arith.mulf %get3A_300, %mul3A_302 : vector<16xf32>
        %add3A_304 = arith.addf %mul3A_297, %mul3A_303 : vector<16xf32>
        %swap3A_305 = arith.index_cast %scan3A_243 : i32 to index
        %swap3A_306 = arith.constant 48 : index
        %swap3A_307 = tpu.vector_load %arg10[%swap3A_305, %swap3A_306] {strides = array<i32>} : memref<128x64xf32, #tpu.memory_space<vmem>>, vector<16xf32>,
        tpu.vector_store %arg10[%swap3A_305, %swap3A_306], %add3A_304 {strides = array<i32>} : memref<128x64xf32, #tpu.memory_space<vmem>>, vector<16xf32>,
      }
      %scan3A_242 = arith.constant 128 : i32
      %run_scoped3A = arith.constant 0 : i32
      "tpu.region"() ({
        %run_scoped3A_243 = tpu.sem_alloc : memref<!tpu.dma_semaphore, #tpu.memory_space<semaphore_mem>>
        %dma_start3A_244 = arith.constant 0 : i32
        %dma_start3A_245 = tpu.memref_slice %arg9[%run_scoped3A, %dma_start3A_244] : memref<2x128xi32, #tpu.memory_space<vmem>> -> memref<1x128xi32, #tpu.memory_space<vmem>>
        %dma_start3A_246 = tpu.memref_squeeze %dma_start3A_245 : memref<1x128xi32, #tpu.memory_space<vmem>> -> memref<128xi32, #tpu.memory_space<vmem>>
        %dma_start3A_247 = arith.constant 0 : i32
        %dma_start3A_248 = arith.constant 0 : i32
        %dma_start3A_249 = tpu.memref_slice %arg4[%dma_start3A_247, %dma_start3A_248] : memref<1000000x64xf32, #tpu.memory_space<hbm>> -> memref<1000000x64xf32, #tpu.memory_space<hbm>>
        tpu.enqueue_indirect_dma source(%arg10 : memref<128x64xf32, #tpu.memory_space<vmem>>) target(%dma_start3A_249 : memref<1000000x64xf32, #tpu.memory_space<hbm>>) offsets(%dma_start3A_246 : memref<128xi32, #tpu.memory_space<vmem>>) semaphore(%run_scoped3A_243 : memref<!tpu.dma_semaphore, #tpu.memory_space<semaphore_mem>>)
        %dma_wait3A_250 = arith.constant 0 : i32
        %dma_wait3A_251 = tpu.memref_slice %arg9[%run_scoped3A, %dma_wait3A_250] : memref<2x128xi32, #tpu.memory_space<vmem>> -> memref<1x128xi32, #tpu.memory_space<vmem>>
        %dma_wait3A_252 = tpu.memref_squeeze %dma_wait3A_251 : memref<1x128xi32, #tpu.memory_space<vmem>> -> memref<128xi32, #tpu.memory_space<vmem>>
        %dma_wait3A_253 = arith.constant 0 : i32
        %dma_wait3A_254 = arith.constant 0 : i32
        %dma_wait3A_255 = tpu.memref_slice %arg4[%dma_wait3A_253, %dma_wait3A_254] : memref<1000000x64xf32, #tpu.memory_space<hbm>> -> memref<1000000x64xf32, #tpu.memory_space<hbm>>
        tpu.wait_indirect_dma semaphore(%run_scoped3A_243 : memref<!tpu.dma_semaphore, #tpu.memory_space<semaphore_mem>>) src(%arg10 : memref<128x64xf32, #tpu.memory_space<vmem>>) dst(%dma_wait3A_255 : memref<1000000x64xf32, #tpu.memory_space<hbm>>)
        tpu.yield
      }) : () -> ()
    }
    return
  }
}

module attributes {stable_mosaic.version = 14 : i64} {
  func.func @_copy_body(%arg0: i32, %arg1: memref<5000x128xf32, #tpu.memory_space<vmem>>, %arg2: memref<5000x128xf32, #tpu.memory_space<vmem>>) attributes {dimension_semantics = [#tpu.dimension_semantics<arbitrary>], iteration_bounds = array<i64: 100>, scalar_prefetch = 0 : i64, scratch_operands = 0 : i64, tpu.core_type = #tpu.core_type<tc>, window_params = [{transform_indices = @transform_0, window_bounds = array<i64: 5000, 128>}, {transform_indices = @transform_1, window_bounds = array<i64: 5000, 128>}]} {
    %get3A = arith.constant 0 : index
    %get3A_0 = arith.constant 0 : index
    %get3A_1 = vector.load %arg1[%get3A, %get3A_0] : memref<5000x128xf32, #tpu.memory_space<vmem>>, vector<5000x128xf32>
    %swap3A = arith.constant 0 : index
    %swap3A_2 = arith.constant 0 : index
    %swap3A_3 = vector.load %arg2[%swap3A, %swap3A_2] : memref<5000x128xf32, #tpu.memory_space<vmem>>, vector<5000x128xf32>
    tpu.vector_store %arg2[%swap3A, %swap3A_2], %get3A_1 {strides = array<i32>} : memref<5000x128xf32, #tpu.memory_space<vmem>>, vector<5000x128xf32>,
    return
  }
  func.func @transform_0(%arg0: i32) -> (i32, i32) {
    %c0_i32 = arith.constant 0 : i32
    %c0_i32_0 = arith.constant 0 : i32
    return %arg0, %c0_i32 : i32, i32
  }
  func.func @transform_1(%arg0: i32) -> (i32, i32) {
    %c0_i32 = arith.constant 0 : i32
    %c0_i32_0 = arith.constant 0 : i32
    return %arg0, %c0_i32 : i32, i32
  }
}

</mosaic_0001>

<sc_bundles>
// kernel: kernel.4.cloned.1.call-start
scs
__scs_entry_jumppad:
0x0: {  	(pc) =	sbr.rel $0x88, $3  }
0x1: {  	(tag) =	ssettag $0x0;
	lr =	simm.s32 $0x1  }
0x2: {  	[smem:$0x3F9E] =	sst lr;
	_ =	strace $0xD0000000  }
0x3: {  	_ = 	snop  }
0x4: {  	_ = 	snop  }
0x5: {  	_ = 	snop  }
0x6: {  	_ = 	snop  }
0x7: {  	_ = 	snop  }
__scs_overlays_trampoline_lowered:
0x8: {  	[smem:$0x3FAD] =	sst s0  }
0x9: {  	[smem:$0x3FAE] =	sst s1  }
0xa: {  	[smem:$0x3FAF] =	sst s2  }
0xb: {  	[smem:$0x3FB0] =	sst s3  }
0xc: {  	[smem:$0x3FB1] =	sst s4  }
0xd: {  	[smem:$0x3FB2] =	sst s5  }
0xe: {  	[smem:$0x3FB3] =	sst s6  }
0xf: {  	[smem:$0x3FB4] =	sst s7  }
0x10: {  	[smem:$0x3FB5] =	sst s8  }
0x11: {  	[smem:$0x3FB6] =	sst s9;
	s0 =	simm.s32 @!p0 $0x0  }
0x12: {  	s1 =	sld [smem:$0x3F9C];
	s0 =	simm.s32 @p0 $0x1  }
0x13: {  	[smem:$0x3FB7] =	sst s0;
	s0 =	simm.s32 @!p1 $0x0  }
0x14: {  	s2 =	sld [smem:$0x3F9B];
	s0 =	simm.s32 @p1 $0x1  }
0x15: {  	[smem:$0x3FB8] =	sst s0;
	s0 =	simm.s32 @!p2 $0x0  }
0x16: {  	s3 =	sld [smem:$0x3FDB];
	s0 =	simm.s32 @p2 $0x1  }
0x17: {  	s4 =	simm.s32 $0x1BF5;
	[smem:$0x3FBA] =	sst s0  }
0x18: {  	s0 =	sld [smem:$0x3F9D];
	_ =	swait.ge [sflag:s4], $0x0  }
0x19: {  	s7 =	sld [smem:$0x3F9E]  }
0x1a: {  	s8 =	sadd.s32 $0xFFFFE003, lr  }
0x1b: {  	s9 =	sadd.s32 $0xFFFFFEF7, lr;
	s5 =	simm.s32 $0xFFFFFFFF;
	p2 =	slt.u32 s8, $0xFFFFF086  }
0x1c: {  	p1 =	slt.u32 s9, $0xF7A;
	s5 =	simm.s32 @!p2 $0x0  }
0x1d: {  	s5 =	simm.s32 @p1 $0x1;
	p0 =	seq.s32 s7, s2  }
0x1e: {  	s7 =	smul.u32 @!p0 $0xF7A, s2;
	p2 =	seq.s32 @!p0 s5, $0x0  }
0x1f: {  	s9 =	smul.u32 $0xF7A, s1;
	s8 =	simm.s32 @!p0 $0x1BF5;
	p2 =	por !p2, p0  }
0x20: {  	[sflag:s8] =	ssyncset.s32 @!p0 $0xFFFFF086;
	s6 =	sadd.s32 @!p0 s3, s7;
	s7 =	simm.s32 @!p0 $0x108  }
0x21: {  	s3 =	sadd.s32 s3, s9;
	s6 =	sadd.s32 @!p0 $0x88, s6;
	s7 =	simm.s32 @p2 $0x1082  }
0x22: {  	[simem:s7], [sflag:s8] =	dma.local @!p0 [hbm:s6], $0xF7A  }
0x23: {  	s9 =	sor.u32 $0xD0000000, s2;
	s6 =	simm.s32 $0x108;
	_ =	swait.ge @!p0 [sflag:s8], $0x0  }
0x24: {  	s3 =	sadd.s32 $0x88, s3;
	s6 =	simm.s32 @!p1 $0x1082;
	[sflag:s4] =	ssyncset.s32 $0xFFFFF086  }
0x25: {  	[simem:s6], [sflag:s4] =	dma.local [hbm:s3], $0xF7A  }
0x26: {  	[smem:$0x3F9E] =	sst s1;
	(tag) =	ssettag s2;
	_ =	strace s9  }
0x27: {  	s1 =	sld [smem:$0x3FAE]  }
0x28: {  	s2 =	sld [smem:$0x3FAF]  }
0x29: {  	s4 =	sld [smem:$0x3FB1]  }
0x2a: {  	p0 =	seq.s32 s5, $0x0;
	s5 =	sld [smem:$0x3FB2]  }
0x2b: {  	s6 =	sld [smem:$0x3FB3]  }
0x2c: {  	s7 =	sld [smem:$0x3FB4]  }
0x2d: {  	s3 =	simm.s32 $0x108;
	s8 =	sld [smem:$0x3FB5]  }
0x2e: {  	s3 =	simm.s32 @!p0 $0x1082;
	s9 =	sld [smem:$0x3FB6]  }
0x2f: {  	lr =	sadd.s32 s0, s3;
	s0 =	sld [smem:$0x3FAD]  }
0x30: {  	s3 =	sld [smem:$0x3FB0]  }
0x31: {  	[smem:$0x3FB9] =	sst s10  }
0x32: {  	s10 =	sld [smem:$0x3FB7];
	_ =	sdelay $0x3  }
0x33: {  	p0 =	seq.s32 s10, $0x1;
	s10 =	sld [smem:$0x3FB9];
	_ =	sdelay $0x3  }
0x34: {  	[smem:$0x3FB9] =	sst s10  }
0x35: {  	s10 =	sld [smem:$0x3FB8];
	_ =	sdelay $0x3  }
0x36: {  	p1 =	seq.s32 s10, $0x1;
	s10 =	sld [smem:$0x3FB9];
	_ =	sdelay $0x3  }
0x37: {  	[smem:$0x3FB9] =	sst s10  }
0x38: {  	s10 =	sld [smem:$0x3FBA]  }
0x39: {  	_ = 	snop;
	(pc) =	sbr.ind lr, $3  }
0x3a: {  	_ = 	snop  }
0x3b: {  	_ = 	snop  }
0x3c: {  	p2 =	seq.s32 s10, $0x1;
	s10 =	sld [smem:$0x3FB9]  }
0x3d: {  	_ =	shalt  }
0x3e: {  	_ =	shalt  }
0x3f: {  	_ =	shalt  }
0x40: {  	_ =	shalt  }
0x41: {  	_ =	shalt  }
0x42: {  	_ =	shalt  }
0x43: {  	_ =	shalt  }
0x44: {  	_ =	shalt  }
0x45: {  	_ =	shalt  }
0x46: {  	_ =	shalt  }
0x47: {  	_ =	shalt  }
0x48: {  	_ =	shalt  }
0x49: {  	_ =	shalt  }
0x4a: {  	_ =	shalt  }
0x4b: {  	_ =	shalt  }
0x4c: {  	_ =	shalt  }
0x4d: {  	_ =	shalt  }
0x4e: {  	_ =	shalt  }
0x4f: {  	_ =	shalt  }
0x50: {  	_ =	shalt  }
0x51: {  	_ =	shalt  }
0x52: {  	_ =	shalt  }
0x53: {  	_ =	shalt  }
0x54: {  	_ =	shalt  }
0x55: {  	_ =	shalt  }
0x56: {  	_ =	shalt  }
0x57: {  	_ =	shalt  }
0x58: {  	_ =	shalt  }
0x59: {  	_ =	shalt  }
0x5a: {  	_ =	shalt  }
0x5b: {  	_ =	shalt  }
0x5c: {  	_ =	shalt  }
0x5d: {  	_ =	shalt  }
0x5e: {  	_ =	shalt  }
0x5f: {  	_ =	shalt  }
0x60: {  	_ =	shalt  }
0x61: {  	_ =	shalt  }
0x62: {  	_ =	shalt  }
0x63: {  	_ =	shalt  }
0x64: {  	_ =	shalt  }
0x65: {  	_ =	shalt  }
0x66: {  	_ =	shalt  }
0x67: {  	_ =	shalt  }
0x68: {  	_ =	shalt  }
0x69: {  	_ =	shalt  }
0x6a: {  	_ =	shalt  }
0x6b: {  	_ =	shalt  }
0x6c: {  	_ =	shalt  }
0x6d: {  	_ =	shalt  }
0x6e: {  	_ =	shalt  }
0x6f: {  	_ =	shalt  }
0x70: {  	_ =	shalt  }
0x71: {  	_ =	shalt  }
0x72: {  	_ =	shalt  }
0x73: {  	_ =	shalt  }
0x74: {  	_ =	shalt  }
0x75: {  	_ =	shalt  }
0x76: {  	_ =	shalt  }
0x77: {  	_ =	shalt  }
0x78: {  	_ =	shalt  }
0x79: {  	_ =	shalt  }
0x7a: {  	_ =	shalt  }
0x7b: {  	_ =	shalt  }
0x7c: {  	_ =	shalt  }
0x7d: {  	_ =	shalt  }
0x7e: {  	_ =	shalt  }
0x7f: {  	_ =	shalt  }
0x80: {  	_ =	shalt  }
0x81: {  	_ =	shalt  }
0x82: {  	_ =	shalt  }
0x83: {  	_ =	shalt  }
0x84: {  	_ =	shalt  }
0x85: {  	_ =	shalt  }
0x86: {  	_ =	shalt  }
0x87: {  	_ =	shalt  }
.Lfunc_end0:
.L_simem_size_0:
called_computation.1_lowered:
.L_overlay_start_0:
0x88: {  	s2 =	sld [smem:$0x3FD9]  }
0x89: {  	s3 =	sld [smem:$0x3FFE];
	_ =	sdelay $0x1  }
0x8a: {  	s1 =	srdreg.scid  }
0x8b: {  	s0 =	sand.u32 $0x1, s1  }
0x8c: {  	s17 =	sshll.u32 s0, $0xA;
	s2 =	sadd.s32 s3, s2  }
0x8d: {  	s2 =	sadd.s32 s2, s17  }
0x8e: {  	[smem:$0x3FC5] =	sst s2  }
0x8f: {  	_ = 	snop  }
0x90: {  	s2 =	sld [smem:$0x3FC8]  }
0x91: {  	s18 =	sld [smem:$0x3FD0];
	(tm) =	ssettm $0x1  }
0x92: {  	s4 =	sld [smem:$0x3FFB];
	_ =	sdelay $0x3  }
0x93: {  	_ =	strace s4  }
0x94: {  	s4 =	sld [smem:$0x3FFC];
	_ =	sdelay $0x3  }
0x95: {  	_ =	strace s4  }
0x96: {  	s4 =	sld [smem:$0x3FFD];
	_ =	sdelay $0x3  }
0x97: {  	_ =	strace s4  }
0x98: {  	_ =	strace $0x8FFFFFFF  }
0x99: {  	s19 =	sld [smem:$0x3FDB];
	_ =	sdelay $0x1  }
0x9a: {  	s5 =	simm.s32 $_scs_section_size  }
0x9b: {  	s6 =	simm.s32 $_size__tile_overlayer_lowered;
	s7 =	simm.s32 $_tile_overlayer_lowered  }
0x9c: {  	s22 =	simm.s32 $0x1BFF;
	s21 =	sshll.u32 s7, $0x1;
	s4 =	sadd.s32 s5, s19  }
0x9d: {  	s8 =	simm.s32 $0x0;
	s20 =	sshll.u32 s6, $0x1;
	s6 =	sadd.s32 s21, s4  }
0x9e: {  	[timem:s8], [sflag:s22] =	dma.local [hbm:s6], s20  }
0x9f: {  	_ =	swait.ge [sflag:s22], s20  }
0xa0: {  	s5 =	ssub.s32 $0x0, s20;
	[sflag:s22] =	ssyncset.done $0x0  }
0xa1: {  	[sflag:s22] =	ssyncadd.s32 s5;
	_ =	sdelay $0x1  }
0xa2: {  	s23 =	simm.s32 $0x1B8B  }
0xa3: {  	_ =	swait.ge [sflag:s23], $0x1  }
0xa4: {  	[sflag:s23] =	ssyncset.done $0x0  }
0xa5: {  	s25 =	simm.s32 $0x1B8E;
	s24 =	sld [smem:$0x3FFE];
	[sflag:s23] =	ssyncadd.s32 $0xFFFFFFFF  }
0xa6: {  	s26 =	simm.s32 $execute0_lowered;
	[smem:$0x3FD2] =	sst s25  }
0xa7: {  	s6 =	sshll.u32 s26, $0x1;
	_ =	strace $0x80000046;
	[dreg:$0x1] =	wrdreg $0xFFFFFFFF  }
0xa8: {  	s28 =	simm.s32 $_size_execute0_lowered;
	s4 =	sadd.s32 s4, s6;
	[dreg:$0x0] =	wrdreg $0x0  }
0xa9: {  	s6 =	sshll.u32 s28, $0x1;
	[dreg:$0x2] =	wrdreg s4  }
0xaa: {  	[dreg:$0x3] =	wrdreg s6  }
0xab: {  	[dreg:$0x4] =	wrdreg $0xC0  }
0xac: {  	_ =	task [dreg:s8], $0x5FFFF  }
0xad: {  	[dreg:$0x1] =	wrdreg $0xFFFFFFFF  }
0xae: {  	[dreg:$0x0] =	wrdreg $0x60  }
0xaf: {  	[dreg:$0x2] =	wrdreg s2  }
0xb0: {  	[dreg:$0x3] =	wrdreg s18  }
0xb1: {  	[dreg:$0x4] =	wrdreg s24  }
0xb2: {  	[dreg:$0x5] =	wrdreg $0x9  }
0xb3: {  	_ =	task.clear_ibuf [dreg:s8], $0x6FFFF;
	_ =	strace $0x90000046  }
0xb4: {  	s29 =	simm.s32 $0x9;
	_ =	strace $0x80000048  }
0xb5: {  	_ =	swait.ge [sflag:s29], $0x1  }
0xb6: {  	[sflag:s29] =	ssyncadd.s32 $0xFFFFFFFF  }
0xb7: {  	_ =	strace $0x90000048  }
0xb8: {  	_ =	sfence  }
0xb9: {  	s30 =	sld [smem:$0x0];
	_ =	sdelay $0x2  }
0xba: {  	s31 =	sshll.u32 s1, $0xD;
	s1 =	sshrl.u32 s1, $0x2  }
0xbb: {  	s3 =	sand.u32 $0x4000, s31;
	s1 =	sadd.s32 s1, s30  }
0xbc: {  	s0 =	sor.u32 s3, s0;
	s1 =	sshll.u32 s1, $0x11  }
0xbd: {  	s0 =	sor.u32 s1, s0  }
0xbe: {  	s0 =	sadd.s32 $0x8F2B, s0  }
0xbf: {  	[sflag:s0] =	ssyncadd.remote.s32 $0x1  }
0xc0: {  	_ =	sfence.sel $0xFFFF  }
0xc1: {  	[dreg:$0x0] =	wrdreg $0xFFFFFFFF;
	(pc) =	sbr.abs _section_cstart, $3  }
0xc2: {  	[dreg:$0x1] =	wrdreg $0xFFFFFFFF  }
0xc3: {  	_ =	task.clear_ibuf [dreg:s8], $0x2FFFF;
	_ =	strace $0x9FFFFFFF  }
0xc4: {  	(tm) =	ssettm $0x7FFFFFFF  }
0xc5: {  	_ =	shalt  }
tec
execute0_lowered:
.L_overlay_start_1:
0x0: {  	(tag) =	ssettag $0x1  }
0x1: {  	s0 =	rddreg [dreg:$0x0]  }
0x2: {  	s1 =	srdreg.scid;
	s3 =	rddreg [dreg:$0x1]  }
0x3: {  	s5 =	rddreg [dreg:$0x2];
	s2 =	stileid.u32  }
0x4: {  	s9 =	simm.s32 $0xBA18;
	s10 =	simm.s32 $0x1;
	s11 =	simm.s32 $0x80  }
0x5: {  	s12 =	simm.s32 $0xFAA8;
	s13 =	simm.s32 $0xFBA8;
	s14 =	simm.s32 $0xFB28  }
0x6: {  	s16 =	simm.s32 $0x2;
	s17 =	simm.s32 $0x0;
	s4 =	sand.u32 $0x1, s1  }
.Ltmp0:
0x7: {  	s1 =	rddreg [dreg:$0x3];
	s8 =	sshll.u32 s2, $0x1;
	(pc) =	sbr.rel .LBB2_1-.Ltmp0, $4  }
0x8: {  	_ =	strace $0x80000047;
	s6 =	ssub.s32 $0x2, s4;
	s31 =	sor.u32 s4, s8  }
0x9: {  	s4 =	sadd.s32 $0xA00, s5;
	s7 =	sshrl.u32 s6, $0x1;
	s15 =	smul.u32 $0x7A12, s31  }
0xa: {  	s8 =	simm.s32 $0x4000;
	s6 =	ssub.s32 s6, s7;
	s7 =	simm.s32 $0x3  }
0xb: {  	v1 =	vlaneseq.u32;
	v2 =	vimm.s32 $0x0;
	s5 =	smax.u32 s6, $0x1;
	s6 =	simm.s32 $0x0;
	v0 =	vmov s15;
	s15 =	simm.s32 $0x11BA8  }
.LBB2_9:
0xc: {  	s17 =	sadd.s32 $0x1, s17  }
0xd: {  	p0 =	sne.s32 s17, s5  }
.Ltmp1:
0xe: {  	_ = 	snop;
	(pc) =	sbr.rel @!p0 .LBB2_10-.Ltmp1, $1  }
0xf: {  	_ =	sdelay $0x3  }
.LBB2_1:
0x10: {  	[tilespmem:s6], [sflag:$0x3] =	stream.linear.gather [hbm4b:s0+s6], $0x4000, $0x38;
	[tilespmem:$0x13BA8] =	vst v63  }
0x11: {  	_ =	swait.ge [sflag:s7], $0x4000  }
0x12: {  	[sflag:s7] =	ssyncset.done $0x0  }
0x13: {  	s18 =	simm.s32 $0x0;
	s19 =	simm.s32 $0x0;
	[sflag:s7] =	ssyncadd.s32 $0xFFFFC000  }
.LBB2_2:
0x14: {  	v3 =	vld [tilespmem:s18+$0x0];
	_ =	sdelay $0x4  }
0x15: {  	v4 =	vsub.s32 v3, v0  }
0x16: {  	vm0 =	vlt.u32 v4, $0x7A12  }
0x17: {  	(xrf1) =	vunique.msk.u32 vm0, v3;
	_ =	sdelay $0xd  }
0x18: {  	_, v3, vm1 =	vpop (xrf1)  }
0x19: {  	vm1 =	vmand vm0, vm1  }
0x1a: {  	p0 =	sne.s32 s19, $0x3FF0;
	v3 =	vnsel vm0, $0x0, v4  }
.Ltmp2:
0x1b: {  	_ = 	snop;
	(pc) =	sbr.rel @p0 .LBB2_2-.Ltmp2, $3  }
0x1c: {  	_ =	sdelay $0x1  }
0x1d: {  	v63 =	vor.u32 s19, v1  }
0x1e: {  	s18 =	sadd.s32 $0x10, s18;
	s19 =	sadd.s32 $0x10, s19;
	[tilespmem:v3+s8+$0x0] =	vst.idx.msk vm1, v63  }
0x1f: {  	s18 =	simm.s32 $0x0  }
0x20: {  	v3 =	vld [tilespmem:s18+$0x0];
	_ =	sdelay $0x4  }
0x21: {  	v3 =	vsub.s32 v3, v0  }
0x22: {  	vm0 =	vlt.u32 v3, $0x7A12  }
0x23: {  	v3 =	vnsel vm0, $0x0, v3;
	_ =	sdelay $0x4  }
0x24: {  	v3 =	vld.idx.msk [tilespmem:v3+s8+$0x0], vm0;
	_ =	sdelay $0x3  }
0x25: {  	v4 =	vor.u32 s18, v1  }
0x26: {  	vm1 =	veq.s32 v3, v4  }
0x27: {  	vm0 =	vmand vm0, vm1  }
0x28: {  	v3 =	vsel vm0, $0x1, v2  }
0x29: {  	(xrf0) =	vadd.scan.msk.s32 $0xffff, v3  }
0x2a: {  	s19 =	simm.s32 $0x10;
	[tilespmem:s18+$0xBA18] =	vst.msk vm0, v4  }
0x2b: {  	s20 =	simm.s32 $0x20;
	s21 =	simm.s32 $0x10;
	v3 =	vld [tilespmem:s19+$0x0]  }
.LBB2_4:
0x2c: {  	p0 =	sne.s32 s20, $0x3FF0;
	_ =	sdelay $0x2  }
0x2d: {  	v4, _, _ =	vpop (xrf0)  }
0x2e: {  	v3 =	vsub.s32 v3, v0;
	(v2sf) =	vpush v4, $0xF  }
0x2f: {  	vm0 =	vlt.u32 v3, $0x7A12  }
0x30: {  	v3 =	vnsel vm0, $0x0, v3;
	_ =	sdelay $0x4  }
0x31: {  	v3 =	vld.idx.msk [tilespmem:v3+s8+$0x0], vm0;
	_ =	sdelay $0x4  }
0x32: {  	v4 =	vor.u32 s19, v1;
	s19 =	smov.u32 s20  }
0x33: {  	vm1 =	veq.s32 v3, v4  }
.Ltmp3:
0x34: {  	vm0 =	vmand vm0, vm1;
	(pc) =	sbr.rel @p0 .LBB2_4-.Ltmp3, $4  }
0x35: {  	v3 =	vsel vm0, $0x1, v2;
	s22 =	spop (v2sf)  }
0x36: {  	(xrf0) =	vadd.scan.msk.s32 $0xffff, v3;
	s18 =	sadd.s32 s18, s22  }
0x37: {  	s21 =	sadd.s32 $0x10, s21;
	[tilespmem:s18+$0xBA18] =	vst.msk vm0, v4  }
0x38: {  	s20 =	sadd.s32 $0x10, s20;
	v3 =	vld [tilespmem:s21+$0x0]  }
0x39: {  	_ =	sdelay $0x3  }
0x3a: {  	v3 =	vsub.s32 v3, v0  }
0x3b: {  	vm0 =	vlt.u32 v3, $0x7A12  }
0x3c: {  	v3 =	vnsel vm0, $0x0, v3;
	_ =	sdelay $0x4  }
0x3d: {  	v3 =	vld.idx.msk [tilespmem:v3+s8+$0x0], vm0;
	_ =	sdelay $0x3  }
0x3e: {  	v4 =	vor.u32 s19, v1  }
0x3f: {  	vm1 =	veq.s32 v3, v4  }
0x40: {  	vm0 =	vmand vm0, vm1  }
0x41: {  	v3 =	vsel vm0, $0x1, v2  }
0x42: {  	(xrf0) =	vadd.scan.msk.s32 $0xffff, v3;
	_ =	sdelay $0x4  }
0x43: {  	v3, _, _ =	vpop (xrf0)  }
0x44: {  	(v2sf) =	vpush v3, $0xF;
	v3, _, _ =	vpop (xrf0)  }
0x45: {  	(v2sf) =	vpush v3, $0xF;
	_ =	sdelay $0xd  }
0x46: {  	s26 =	spop (v2sf)  }
0x47: {  	s18 =	sadd.s32 s18, s26;
	s28 =	spop (v2sf)  }
0x48: {  	s19 =	sadd.s32 s18, s28  }
0x49: {  	s20 =	sadd.s32 $0xFFFFFFFF, s19  }
0x4a: {  	p0 =	sgt.s32 s20, $0x0  }
0x4b: {  	s20 =	simm.s32 @!p0 $0x0  }
0x4c: {  	v3 =	vmov s20  }
0x4d: {  	v3 =	vbroadcast v3, $0x0;
	_ =	sdelay $0x4  }
0x4e: {  	[tilespmem:s18+$0xBA18] =	vst.msk vm0, v4  }
0x4f: {  	s29 =	sadd.s32 $0x7F, s19;
	v3 =	vld.idx.msk [tilespmem:v3+s9+$0x0], $0xffff  }
0x50: {  	s30 =	sand.u32 $0x7F, s29  }
0x51: {  	s31 =	sshra.s32 s29, $0x1F;
	p1 =	slt.s32 s29, $0x1;
	p6 =	sne.s32 s30, $0x0  }
0x52: {  	s20 =	sshrl.u32 s31, $0x19;
	p0 =	por !p1, !p6  }
0x53: {  	s18 =	sadd.s32 s20, s29;
	p0 =	por !p0, !p0;
	s20 =	simm.s32 $0x1  }
0x54: {  	s18 =	sshra.s32 s18, $0x7;
	s20 =	simm.s32 @!p0 $0x0;
	[tilespmem:s19+$0xBA18] =	vst v3  }
0x55: {  	s18 =	ssub.s32 s18, s20;
	[tilespmem:s19+$0xBA28] =	vst v3  }
0x56: {  	p0 =	slt.s32 s18, $0x1;
	[tilespmem:s19+$0xBA38] =	vst v3  }
.Ltmp4:
0x57: {  	[tilespmem:s19+$0xBA48] =	vst v3;
	(pc) =	sbr.rel @p0 .LBB2_9-.Ltmp4, $4  }
0x58: {  	[tilespmem:s19+$0xBA58] =	vst v3  }
0x59: {  	[tilespmem:s19+$0xBA68] =	vst v3  }
0x5a: {  	[tilespmem:s19+$0xBA78] =	vst v3  }
0x5b: {  	s20 =	simm.s32 $0x0;
	[tilespmem:s19+$0xBA88] =	vst v3;
	s19 =	simm.s32 $0x0  }
.LBB2_6:
0x5c: {  	s21 =	sshll.u32 s20, $0x9  }
0x5d: {  	s21 =	sshra.s32 s21, $0x2  }
0x5e: {  	v3 =	vld [tilespmem:s21+$0xBA18];
	_ =	sdelay $0x7  }
0x5f: {  	v4 =	vld.idx.msk [tilespmem:v3+s19+$0x0], $0xffff;
	_ =	sdelay $0x3  }
0x60: {  	[tilespmem:$0xFB28] =	vst v3  }
0x61: {  	[tilespmem:$0xFAA8] =	vst v4  }
0x62: {  	v3 =	vld [tilespmem:s21+$0xBA28];
	_ =	sdelay $0x7  }
0x63: {  	v4 =	vld.idx.msk [tilespmem:v3+s19+$0x0], $0xffff;
	_ =	sdelay $0x3  }
0x64: {  	[tilespmem:$0xFB38] =	vst v3  }
0x65: {  	[tilespmem:$0xFAB8] =	vst v4  }
0x66: {  	v3 =	vld [tilespmem:s21+$0xBA38];
	_ =	sdelay $0x7  }
0x67: {  	v4 =	vld.idx.msk [tilespmem:v3+s19+$0x0], $0xffff;
	_ =	sdelay $0x3  }
0x68: {  	[tilespmem:$0xFB48] =	vst v3  }
0x69: {  	[tilespmem:$0xFAC8] =	vst v4  }
0x6a: {  	v3 =	vld [tilespmem:s21+$0xBA48];
	_ =	sdelay $0x7  }
0x6b: {  	v4 =	vld.idx.msk [tilespmem:v3+s19+$0x0], $0xffff;
	_ =	sdelay $0x3  }
0x6c: {  	[tilespmem:$0xFB58] =	vst v3  }
0x6d: {  	[tilespmem:$0xFAD8] =	vst v4  }
0x6e: {  	v3 =	vld [tilespmem:s21+$0xBA58];
	_ =	sdelay $0x7  }
0x6f: {  	v4 =	vld.idx.msk [tilespmem:v3+s19+$0x0], $0xffff;
	_ =	sdelay $0x3  }
0x70: {  	[tilespmem:$0xFB68] =	vst v3  }
0x71: {  	[tilespmem:$0xFAE8] =	vst v4  }
0x72: {  	v3 =	vld [tilespmem:s21+$0xBA68];
	_ =	sdelay $0x7  }
0x73: {  	v4 =	vld.idx.msk [tilespmem:v3+s19+$0x0], $0xffff;
	_ =	sdelay $0x3  }
0x74: {  	[tilespmem:$0xFB78] =	vst v3  }
0x75: {  	[tilespmem:$0xFAF8] =	vst v4  }
0x76: {  	v3 =	vld [tilespmem:s21+$0xBA78];
	_ =	sdelay $0x7  }
0x77: {  	v4 =	vld.idx.msk [tilespmem:v3+s19+$0x0], $0xffff;
	_ =	sdelay $0x3  }
0x78: {  	[tilespmem:$0xFB88] =	vst v3  }
0x79: {  	[tilespmem:$0xFB08] =	vst v4  }
0x7a: {  	v3 =	vld [tilespmem:s21+$0xBA88];
	_ =	sdelay $0x7  }
0x7b: {  	v4 =	vld.idx.msk [tilespmem:v3+s19+$0x0], $0xffff;
	_ =	sdelay $0x3  }
0x7c: {  	[tilespmem:$0xFB98] =	vst v3  }
0x7d: {  	[tilespmem:$0xFB18] =	vst v4  }
0x7e: {  	[tilespmem:s13], [sflag:$0x1] =	stream.indirect.gather [hbm4b:s4+s11], $0x40, s12, s11, $0xb8;
	[tilespmem:$0x13BA8] =	vst v63  }
0x7f: {  	_ = 	snop  }
0x80: {  	[tilespmem:s15], [sflag:$0x2] =	stream.indirect.gather [hbm4b:s3+s11], $0x40, s14, s11, $0xb8;
	[tilespmem:$0x13BA8] =	vst v63  }
0x81: {  	_ =	swait.ge [sflag:s10], $0x2000  }
0x82: {  	[sflag:s10] =	ssyncset.done $0x0  }
0x83: {  	[sflag:s10] =	ssyncadd.s32 $0xFFFFE000  }
0x84: {  	_ =	swait.ge [sflag:s16], $0x2000  }
0x85: {  	[sflag:s16] =	ssyncset.done $0x0  }
0x86: {  	s21 =	simm.s32 $0x0;
	[sflag:s16] =	ssyncadd.s32 $0xFFFFE000  }
0x87: {  	v6 =	vld [tilespmem:s21+$0x11BA8]  }
0x88: {  	v5 =	vld [tilespmem:s21+$0x11BB8]  }
0x89: {  	v4 =	vld [tilespmem:s21+$0x11BC8]  }
0x8a: {  	v3 =	vld [tilespmem:s21+$0x11BD8]  }
0x8b: {  	v9 =	vld [tilespmem:s21+$0xFBA8]  }
0x8c: {  	v8 =	vld [tilespmem:s21+$0xFBB8]  }
0x8d: {  	s22 =	simm.s32 $0x100;
	v7 =	vld [tilespmem:s21+$0xFBC8]  }
.LBB2_7:
0x8e: {  	p0 =	sne.s32 s22, $0x7F00;
	v10 =	vld [tilespmem:s21+$0xFBD8];
	_ =	sdelay $0x1  }
0x8f: {  	s23 =	sshra.s32 s22, $0x2;
	v11 =	vmul.f32 $8.000000110e-01, v6;
	v9 =	vmul.f32 $2.000000030e-01, v9  }
0x90: {  	v12 =	vmul.f32 $8.000000110e-01, v5;
	v6 =	vld [tilespmem:s23+$0x11BA8];
	v8 =	vmul.f32 $2.000000030e-01, v8  }
0x91: {  	v5 =	vld [tilespmem:s23+$0x11BB8];
	v9 =	vadd.f32 v11, v9;
	v7 =	vmul.f32 $2.000000030e-01, v7;
	v11 =	vmul.f32 $8.000000110e-01, v4  }
.Ltmp5:
0x92: {  	v4 =	vld [tilespmem:s23+$0x11BC8];
	v8 =	vadd.f32 v12, v8;
	v10 =	vmul.f32 $2.000000030e-01, v10;
	v12 =	vmul.f32 $8.000000110e-01, v3;
	(pc) =	sbr.rel @p0 .LBB2_7-.Ltmp5, $4  }
0x93: {  	v3 =	vld [tilespmem:s23+$0x11BD8];
	[tilespmem:s21+$0xFBA8] =	vst v9;
	v7 =	vadd.f32 v11, v7  }
0x94: {  	v9 =	vld [tilespmem:s23+$0xFBA8];
	[tilespmem:s21+$0xFBB8] =	vst v8;
	v10 =	vadd.f32 v12, v10  }
0x95: {  	v8 =	vld [tilespmem:s23+$0xFBB8];
	[tilespmem:s21+$0xFBC8] =	vst v7  }
0x96: {  	s22 =	sadd.s32 $0x100, s22;
	v7 =	vld [tilespmem:s23+$0xFBC8];
	[tilespmem:s21+$0xFBD8] =	vst v10;
	s21 =	smov.u32 s23  }
0x97: {  	v10 =	vld [tilespmem:s21+$0xFBD8];
	_ =	sdelay $0x1  }
0x98: {  	v6 =	vmul.f32 $8.000000110e-01, v6;
	v9 =	vmul.f32 $2.000000030e-01, v9  }
0x99: {  	v5 =	vmul.f32 $8.000000110e-01, v5;
	v8 =	vmul.f32 $2.000000030e-01, v8  }
0x9a: {  	v4 =	vmul.f32 $8.000000110e-01, v4;
	v6 =	vadd.f32 v6, v9;
	v7 =	vmul.f32 $2.000000030e-01, v7  }
0x9b: {  	v3 =	vmul.f32 $8.000000110e-01, v3;
	v5 =	vadd.f32 v5, v8;
	v63 =	vmul.f32 $2.000000030e-01, v10  }
0x9c: {  	[tilespmem:s21+$0xFBA8] =	vst v6;
	v4 =	vadd.f32 v4, v7  }
0x9d: {  	[tilespmem:s21+$0xFBB8] =	vst v5;
	v3 =	vadd.f32 v3, v63  }
0x9e: {  	s20 =	sadd.s32 $0x1, s20;
	[tilespmem:s21+$0xFBC8] =	vst v4  }
0x9f: {  	p0 =	sne.s32 s20, s18;
	[tilespmem:s21+$0xFBD8] =	vst v3  }
0xa0: {  	[hbm4b:s4+s11] =	stream.indirect.scatter [tilespmem:s13], [sflag:$0x3], $0x40, s12, s11, $0xb8;
	[tilespmem:$0x13BA8] =	vst v63  }
.Ltmp6:
0xa1: {  	_ = 	snop;
	(pc) =	sbr.rel @p0 .LBB2_6-.Ltmp6, $4  }
.Ltmp7:
0xa2: {  	_ = 	snop;
	(pc) =	sbr.rel @!p0 .LBB2_9-.Ltmp7, $4  }
0xa3: {  	_ =	swait.ge [sflag:s7], $0x2000  }
0xa4: {  	[sflag:s7] =	ssyncset.done $0x0  }
0xa5: {  	[sflag:s7] =	ssyncadd.s32 $0xFFFFE000  }
0xa6: {  	_ = 	snop  }
.LBB2_10:
0xa7: {  	_ =	sfence.sel $0x180000  }
0xa8: {  	[bflag:$0x0] =	sbarrier.arrive $0xFFFF  }
0xa9: {  	p0 =	sne.s32 s2, $0x0;
	_ =	strace $0x90000047  }
0xaa: {  	s0 =	sadd.s32 @!p0 $0x100000, s1;
	[bflag:$0x2] =	sbarrier.arrive $0xFFFF  }
0xab: {  	[sflag:s0] =	ssyncadd.tile.s32 @!p0 $0x1;
	_ =	shalt  }
.Lfunc_end2:
_tile_overlayer_lowered:
.L_overlay_start_2:
0xac: {  	(tag) =	ssettag $0x2  }
0xad: {  	s0 =	rddreg [dreg:$0x0];
	s2 =	stileid.u32  }
0xae: {  	s1 =	rddreg [dreg:$0x1];
	p0 =	sne.s32 s2, $0x0  }
0xaf: {  	s3 =	rddreg [dreg:$0x2];
	[bflag:$0x3] =	sbarrier.arrive $0xFFFF;
	s2 =	simm.s32 @!p0 $0x1C03  }
0xb0: {  	[timem:s3], [sflag:s2] =	dma.local @!p0 [hbm:s0], s1  }
0xb1: {  	s0 =	simm.s32 @!p0 $0x3  }
0xb2: {  	_ =	swait.ge @!p0 [sflag:s0], s1  }
0xb3: {  	s1 =	ssub.s32 @!p0 $0x0, s1;
	[sflag:s0] =	ssyncset.done @!p0 $0x0  }
0xb4: {  	[sflag:s0] =	ssyncadd.s32 @!p0 s1  }
0xb5: {  	[bflag:$0x3] =	sbarrier.arrive $0xFFFF  }
0xb6: {  	_ =	shalt  }

// kernel: sparse-core-data-format-call.cloned.1.call-start
scs
called_computation_lowered:
.L_overlay_start_0:
0x0: {  	s2 =	sld [smem:$0x3FD9]  }
0x1: {  	s3 =	sld [smem:$0x3FFE];
	_ =	sdelay $0x1  }
0x2: {  	s1 =	srdreg.scid  }
0x3: {  	s0 =	sand.u32 $0x1, s1  }
0x4: {  	s18 =	sshll.u32 s0, $0xA;
	s2 =	sadd.s32 s3, s2  }
0x5: {  	s2 =	sadd.s32 s2, s18  }
0x6: {  	[smem:$0x3FC5] =	sst s2  }
0x7: {  	_ = 	snop  }
0x8: {  	s2 =	sld [smem:$0x3FD0];
	(tm) =	ssettm $0x1  }
0x9: {  	s19 =	sld [smem:$0x3FFB];
	_ =	sdelay $0x3  }
0xa: {  	_ =	strace s19  }
0xb: {  	s3 =	sld [smem:$0x3FFC];
	_ =	sdelay $0x3  }
0xc: {  	_ =	strace s3  }
0xd: {  	s3 =	sld [smem:$0x3FFD];
	_ =	sdelay $0x3  }
0xe: {  	_ =	strace s3  }
0xf: {  	_ =	strace $0x8FFFFFFF  }
0x10: {  	s20 =	sld [smem:$0x3FDB];
	_ =	sdelay $0x1  }
0x11: {  	s4 =	simm.s32 $_scs_section_size  }
0x12: {  	s5 =	simm.s32 $_size__tile_overlayer_lowered;
	s6 =	simm.s32 $_tile_overlayer_lowered  }
0x13: {  	s23 =	simm.s32 $0x1BFF;
	s22 =	sshll.u32 s6, $0x1;
	s3 =	sadd.s32 s4, s20  }
0x14: {  	s7 =	simm.s32 $0x0;
	s21 =	sshll.u32 s5, $0x1;
	s5 =	sadd.s32 s22, s3  }
0x15: {  	[timem:s7], [sflag:s23] =	dma.local [hbm:s5], s21  }
0x16: {  	_ =	swait.ge [sflag:s23], s21  }
0x17: {  	s4 =	ssub.s32 $0x0, s21;
	[sflag:s23] =	ssyncset.done $0x0  }
0x18: {  	[sflag:s23] =	ssyncadd.s32 s4;
	_ =	sdelay $0x1  }
0x19: {  	s24 =	simm.s32 $0x1B8B  }
0x1a: {  	_ =	swait.ge [sflag:s24], $0x1  }
0x1b: {  	[sflag:s24] =	ssyncset.done $0x0  }
0x1c: {  	s26 =	simm.s32 $0x1B8E;
	s25 =	sld [smem:$0x3FFE];
	[sflag:s24] =	ssyncadd.s32 $0xFFFFFFFF  }
0x1d: {  	s27 =	simm.s32 $execute0_lowered;
	[smem:$0x3FD2] =	sst s26  }
0x1e: {  	s5 =	sshll.u32 s27, $0x1;
	_ =	strace $0x80000049;
	[dreg:$0x1] =	wrdreg $0xFFFFFFFF  }
0x1f: {  	s28 =	simm.s32 $_size_execute0_lowered;
	s3 =	sadd.s32 s3, s5;
	[dreg:$0x0] =	wrdreg $0x0  }
0x20: {  	s5 =	sshll.u32 s28, $0x1;
	[dreg:$0x2] =	wrdreg s3  }
0x21: {  	[dreg:$0x3] =	wrdreg s5  }
0x22: {  	[dreg:$0x4] =	wrdreg $0xC0  }
0x23: {  	_ =	task [dreg:s7], $0x5FFFF  }
0x24: {  	[dreg:$0x1] =	wrdreg $0xFFFFFFFF  }
0x25: {  	[dreg:$0x0] =	wrdreg $0x60  }
0x26: {  	[dreg:$0x2] =	wrdreg s25  }
0x27: {  	[dreg:$0x3] =	wrdreg s2  }
0x28: {  	[dreg:$0x4] =	wrdreg $0x9  }
0x29: {  	_ =	task.clear_ibuf [dreg:s7], $0x5FFFF;
	_ =	strace $0x90000049  }
0x2a: {  	s29 =	simm.s32 $0x9;
	_ =	strace $0x8000004B  }
0x2b: {  	_ =	swait.ge [sflag:s29], $0x1  }
0x2c: {  	[sflag:s29] =	ssyncadd.s32 $0xFFFFFFFF  }
0x2d: {  	_ =	strace $0x9000004B  }
0x2e: {  	_ =	sfence  }
0x2f: {  	s30 =	sld [smem:$0x0];
	_ =	sdelay $0x2  }
0x30: {  	s31 =	sshll.u32 s1, $0xD;
	s1 =	sshrl.u32 s1, $0x2  }
0x31: {  	s3 =	sand.u32 $0x4000, s31;
	s1 =	sadd.s32 s1, s30  }
0x32: {  	s0 =	sor.u32 s3, s0;
	s1 =	sshll.u32 s1, $0x11  }
0x33: {  	s0 =	sor.u32 s1, s0  }
0x34: {  	s0 =	sadd.s32 $0x8F2B, s0  }
0x35: {  	[sflag:s0] =	ssyncadd.remote.s32 $0x1  }
0x36: {  	_ =	sfence.sel $0xFFFF  }
0x37: {  	[dreg:$0x0] =	wrdreg $0xFFFFFFFF;
	(pc) =	sbr.abs _section_cstart, $3  }
0x38: {  	[dreg:$0x1] =	wrdreg $0xFFFFFFFF  }
0x39: {  	_ =	task.clear_ibuf [dreg:s7], $0x2FFFF;
	_ =	strace $0x9FFFFFFF  }
0x3a: {  	(tm) =	ssettm $0x7FFFFFFF  }
0x3b: {  	_ =	shalt  }
tec
execute0_lowered:
.L_overlay_start_1:
0x0: {  	(tag) =	ssettag $0x1  }
0x1: {  	s4 =	rddreg [dreg:$0x0]  }
0x2: {  	s0 =	srdreg.scid;
	s2 =	rddreg [dreg:$0x1]  }
0x3: {  	s1 =	stileid.u32;
	s5 =	simm.s32 $0x1;
	s0 =	sshll.u32 s0, $0x4  }
0x4: {  	s7 =	simm.s32 $0x2;
	s11 =	simm.s32 $0x0;
	s3 =	sand.u32 $0x10, s0  }
.Ltmp0:
0x5: {  	p0 =	por $0x0, $0x0;
	s3 =	sor.u32 s1, s3;
	(pc) =	sbr.rel .LBB1_1-.Ltmp0, $4  }
0x6: {  	s8 =	simm.s32 $0x7A1400;
	s10 =	simm.s32 $0x0;
	s3 =	sshll.u32 s3, $0x7  }
0x7: {  	s0 =	rddreg [dreg:$0x2];
	_ =	strace $0x8000004A;
	s6 =	ssub.s32 $0xF4200, s3  }
0x8: {  	s4 =	sadd.s32 $0x7A1C00, s4;
	[sflag:s5] =	ssyncpa.u1 $0x0;
	s6 =	sshrl.u32 s6, $0xC  }
0x9: {  	[sflag:s7] =	ssyncpa.u1 $0x0;
	s9 =	smov.u32 s3;
	s7 =	sadd.s32 $0x2, s6  }
.LBB1_5:
0xa: {  	s13 =	sadd.s32 $0x1000, s9  }
0xb: {  	p2 =	sgt.s32 s13, $0xF423F  }
0xc: {  	s13 =	smov.u32 @p2 s3;
	p2 =	sne.s32 s10, s7  }
.Ltmp1:
0xd: {  	p1 =	slt.u32 s10, $0x2;
	(pc) =	sbr.rel @!p2 .LBB1_6-.Ltmp1, $4  }
0xe: {  	s12 =	simm.s32 @!p1 $0x2  }
0xf: {  	s14 =	sadd.s32 $0x1, s10;
	_ =	swait.ge @!p1 [sflag:s12], $0x2000  }
0x10: {  	s11 =	smov.u32 s9;
	p0 =	por !p0, !p0;
	[sflag:s12] =	ssyncset.done @!p1 $0x0  }
0x11: {  	s10 =	smov.u32 s14;
	s9 =	smov.u32 s13;
	[sflag:s12] =	ssyncadd.s32 @!p1 $0xFFFFE000  }
.LBB1_1:
0x12: {  	p1 =	sgt.u32 s10, s6  }
0x13: {  	s13 =	smov.u32 s9;
	p2 =	sgt.s32 @!p1 s9, $0xF41C0  }
0x14: {  	s12 =	sand.u32 @!p1 $0x1FFFFFF, s9;
	s14 =	sshra.s32 @!p1 s9, $0x1F;
	p2 =	por !p2, p1  }
0x15: {  	s15 =	smulhi.u32 @!p1 $0x218DEF5, s12;
	s14 =	sand.u32 @!p1 s14, s9;
	s13 =	simm.s32 @p2 $0xF41C0  }
0x16: {  	s13 =	ssub.s32 @!p1 s13, s14  }
0x17: {  	s14 =	sshrl.u32 @!p1 s15, $0xD;
	s13 =	sadd.s32 @!p1 $0xFFF0BE40, s13  }
0x18: {  	s15 =	sxor.u32 @!p1 $0xFFFFFFFF, s10;
	s14 =	smul.u32 @!p1 $0xF4240, s14;
	s16 =	sshll.u32 @!p1 s13, $0x8  }
0x19: {  	s15 =	sshll.u32 @!p1 s15, $0xD;
	p2 =	sgt.s32 @!p1 s13, $0x7F;
	s13 =	ssub.s32 @!p1 $0x8000, s16  }
0x1a: {  	s12 =	ssub.s32 @!p1 s12, s14;
	p2 =	por !p2, p1;
	s14 =	sand.u32 @!p1 $0x2000, s15  }
0x1b: {  	s15 =	simm.s32 @!p1 $0x40;
	s13 =	sshrl.u32 @!p1 s13, $0x2;
	s12 =	sshll.u32 @!p1 s12, $0x4  }
0x1c: {  	s16 =	simm.s32 @!p1 $0x80;
	s13 =	simm.s32 @!p2 $0x0;
	s12 =	sadd.s32 @!p1 s4, s12  }
0x1d: {  	[tilespmem:s14], [sflag:$0x1] =	stream.strided.gather @!p1 [hbm4b:s12+s15], s13, s16, s15, $0x38;
	[tilespmem:$0x8080] =	vst v63  }
0x1e: {  	p1 =	seq.s32 s10, $0x0  }
0x1f: {  	p2 =	sge.u32 @!p1 s10, s7  }
0x20: {  	p1 =	por p1, p2  }
.Ltmp2:
0x21: {  	_ = 	snop;
	(pc) =	sbr.rel @p1 .LBB1_5-.Ltmp2, $1  }
0x22: {  	_ =	sdelay $0x3  }
0x23: {  	p1 =	sgt.s32 s11, $0xF41C0;
	s12 =	smov.u32 s11;
	s13 =	sshra.s32 s11, $0x1F  }
0x24: {  	s12 =	simm.s32 @!p1 $0xF41C0;
	s13 =	sand.u32 s13, s11  }
0x25: {  	s12 =	ssub.s32 s12, s13  }
0x26: {  	s12 =	sadd.s32 $0xFFF0BE40, s12  }
0x27: {  	s28 =	sshll.u32 s12, $0x8  }
0x28: {  	s13 =	ssub.s32 $0x8000, s28  }
0x29: {  	p1 =	sgt.s32 s12, $0x7F;
	s12 =	sshrl.u32 s13, $0x2  }
0x2a: {  	s13 =	simm.s32 $0x1;
	s12 =	simm.s32 @p1 $0x0  }
0x2b: {  	s13 =	simm.s32 @!p0 $0x0;
	_ =	swait.ge [sflag:s5], s12  }
0x2c: {  	s14 =	sshll.u32 s13, $0xD;
	s12 =	ssub.s32 $0x0, s12;
	[sflag:s5] =	ssyncset.done $0x0  }
0x2d: {  	s16 =	sor.u32 $0x20, s14;
	[sflag:s5] =	ssyncadd.s32 s12  }
0x2e: {  	s29 =	smul.u32 $0x8100, s13;
	v3 =	vld [tilespmem:s16+$0x10]  }
0x2f: {  	s30 =	sand.u32 $0x1, s10;
	v2 =	vld [tilespmem:s16+$0xFFFFFFF0]  }
0x30: {  	s13 =	smul.u32 $0x8100, s30;
	s12 =	sshrl.u32 s29, $0x2;
	v0 =	vld [tilespmem:s16+$0x0]  }
0x31: {  	s14 =	sor.u32 $0x4000, s12;
	v1 =	vld [tilespmem:s16+$0xFFFFFFE0]  }
0x32: {  	s31 =	sshrl.u32 s13, $0x2;
	s13 =	sadd.s32 $0x0, s14  }
0x33: {  	s15 =	simm.s32 $0x4;
	s12 =	sor.u32 $0x4000, s31;
	s16 =	sadd.s32 $0x40, s16;
	[tilespmem:s13+$0x1830 ss:$0x81] =	vst.msk $0xffff, v3  }
.LBB1_3:
0x34: {  	v3 =	vld [tilespmem:s16+$0x10];
	p1 =	sne.s32 s15, $0x1FC;
	[tilespmem:s13+$0x810 ss:$0x81] =	vst.msk $0xffff, v2;
	s17 =	smov.u32 s15;
	s15 =	sadd.s32 $0x4, s15  }
.Ltmp3:
0x35: {  	v2 =	vld [tilespmem:s16+$0xFFFFFFF0];
	[tilespmem:s13+$0x1020 ss:$0x81] =	vst.msk $0xffff, v0;
	(pc) =	sbr.rel @p1 .LBB1_3-.Ltmp3, $4  }
0x36: {  	v0 =	vld [tilespmem:s16+$0x0];
	[tilespmem:s13+$0x0 ss:$0x81] =	vst.msk $0xffff, v1  }
0x37: {  	s13 =	sshra.s32 s17, $0x2;
	v1 =	vld [tilespmem:s16+$0xFFFFFFE0]  }
0x38: {  	s13 =	sadd.s32 s13, s14  }
0x39: {  	s16 =	sadd.s32 $0x40, s16;
	[tilespmem:s13+$0x1830 ss:$0x81] =	vst.msk $0xffff, v3  }
0x3a: {  	s14 =	sshll.u32 s11, $0x3  }
0x3b: {  	s30 =	sand.u32 $0x7F, s11;
	s14 =	sand.u32 $0xFFFFFC00, s14  }
0x3c: {  	s11 =	sor.u32 s30, s14  }
0x3d: {  	s15 =	smulhi.u32 $0x218D6287, s11;
	_ =	sdelay $0x1  }
0x3e: {  	s14 =	smulhi.u32 $0x218D6287, s14;
	s15 =	sshrl.u32 s15, $0x11  }
0x3f: {  	s15 =	smul.u32 $0xF4280, s15  }
0x40: {  	s14 =	sshrl.u32 s14, $0x11  }
.Ltmp4:
0x41: {  	s14 =	sand.u32 $0x3F, s14;
	s11 =	ssub.s32 s11, s15;
	(pc) =	sbr.rel .LBB1_5-.Ltmp4, $4  }
0x42: {  	[tilespmem:s13+$0x810 ss:$0x81] =	vst.msk $0xffff, v2;
	s14 =	smul.u32 $0x1E850, s14;
	s15 =	sshrl.u32 s11, $0x3;
	s11 =	sand.u32 $0x7, s11  }
0x43: {  	[tilespmem:s13+$0x1020 ss:$0x81] =	vst.msk $0xffff, v0;
	s15 =	sadd.s32 s2, s15;
	s11 =	sshll.u32 s11, $0x12  }
0x44: {  	[tilespmem:s13+$0x0 ss:$0x81] =	vst.msk $0xffff, v1;
	s31 =	sadd.s32 s14, s15;
	s11 =	sor.u32 $0x400, s11  }
0x45: {  	[hbm4b:s31+s11] =	stream.strided.scatter [tilespmem:s12], [sflag:$0x2], $0x2000, s8, s11, $0x20;
	[tilespmem:$0x8080] =	vst v63  }
.LBB1_6:
0x46: {  	_ =	sfence.sel $0x180000  }
0x47: {  	s2 =	simm.s32 $0x1;
	[bflag:$0x0] =	sbarrier.arrive $0xFFFF  }
0x48: {  	s31 =	simm.s32 $0x2;
	[sflag:s2] =	ssyncpa.u1 $0x1  }
0x49: {  	[sflag:s31] =	ssyncpa.u1 $0x1  }
0x4a: {  	p0 =	sne.s32 s1, $0x0;
	_ =	strace $0x9000004A  }
0x4b: {  	s0 =	sadd.s32 @!p0 $0x100000, s0;
	[bflag:$0x2] =	sbarrier.arrive $0xFFFF  }
0x4c: {  	[sflag:s0] =	ssyncadd.tile.s32 @!p0 $0x1;
	_ =	shalt  }
.Lfunc_end1:
_tile_overlayer_lowered:
.L_overlay_start_2:
0x4d: {  	(tag) =	ssettag $0x2  }
0x4e: {  	s0 =	rddreg [dreg:$0x0];
	s2 =	stileid.u32  }
0x4f: {  	s1 =	rddreg [dreg:$0x1];
	p0 =	sne.s32 s2, $0x0  }
0x50: {  	s3 =	rddreg [dreg:$0x2];
	[bflag:$0x3] =	sbarrier.arrive $0xFFFF;
	s2 =	simm.s32 @!p0 $0x1C01  }
0x51: {  	[timem:s3], [sflag:s2] =	dma.local @!p0 [hbm:s0], s1  }
0x52: {  	s0 =	simm.s32 @!p0 $0x1  }
0x53: {  	_ =	swait.ge @!p0 [sflag:s0], s1  }
0x54: {  	s1 =	ssub.s32 @!p0 $0x0, s1;
	[sflag:s0] =	ssyncset.done @!p0 $0x0  }
0x55: {  	[sflag:s0] =	ssyncadd.s32 @!p0 s1  }
0x56: {  	[bflag:$0x3] =	sbarrier.arrive $0xFFFF  }
0x57: {  	_ =	shalt  }

</sc_bundles>
